<compile_context>
chip_gen: v7x
topology: tpu7x:2x2x1
jax: 0.10.2.dev20260603
libtpu: 0.0.44.dev20260713+nightly
codegen_flags: <defaults>
</compile_context>

<pallas_src>
import functools

import jax
import jax.numpy as jnp
from jax import lax
from jax.experimental import pallas as pl
from jax.experimental.pallas import tpu as pltpu
from jax.experimental.pallas import tpu_sc as plsc

_N = 100000
_D = 128
_S = 64
_SA = _S + 1
_NC = 2
_NS = 16
_NT = _NC * _NS
_Q = 3200
_CH = 320
_NB = _CH // 16
_NCH = _Q // _CH
_CLAMP = _N - _CH
_IDS_DMA = _Q + 16
_IDS_BUF = _IDS_DMA + 16
_ICLAMP = _N - _IDS_DMA
_f32 = jnp.float32


def _sc_pool_body(feat, ids, osum, omin, omax, osq, ocnt,
                  fb0, fb1, idsb, asum, amin, amax, asq, acnt,
                  sem0, sem1, semi):
    wid = lax.axis_index("s") * _NC + lax.axis_index("c")
    base = wid * _Q

    def _chunk_start(k):
        return pl.multiple_of(jnp.minimum(base + k * _CH, _CLAMP), 8)

    iastart = pl.multiple_of(jnp.minimum(base, _ICLAMP), 16)
    ids_cp = pltpu.async_copy(ids.at[pl.ds(iastart, _IDS_DMA)],
                              idsb.at[pl.ds(0, _IDS_DMA)], semi)
    bufs = [fb0, fb1]
    sems = [sem0, sem1]
    copies = [None, None]
    copies[0] = pltpu.async_copy(
        feat.at[pl.ds(_chunk_start(0) * _D, _CH * _D)], fb0, sem0)

    zero = jnp.zeros((16,), _f32)
    ninf = jnp.full((16,), -jnp.inf, _f32)
    pinf = jnp.full((16,), jnp.inf, _f32)

    def _init(s, carry):
        for c in range(8):
            sl = pl.ds(s * _D + 16 * c, 16)
            asum[sl] = zero
            asq[sl] = zero
            amin[sl] = pinf
            amax[sl] = ninf
        acnt[pl.ds(s * 16, 16)] = zero
        return carry

    lax.fori_loop(0, _SA, _init, 0)
    ids_cp.wait()

    for k in range(_NCH):
        if k + 1 < _NCH:
            nb = (k + 1) % 2
            copies[nb] = pltpu.async_copy(
                feat.at[pl.ds(_chunk_start(k + 1) * _D, _CH * _D)],
                bufs[nb], sems[nb])
        copies[k % 2].wait()
        buf = bufs[k % 2]
        start = base + k * _CH
        clamped = jnp.minimum(start, _CLAMP)
        hi = jnp.clip(_N - clamped, 0, _CH)
        lo = jnp.minimum(start - clamped, hi)
        idx0 = clamped - iastart

        def _block(b, carry, buf=buf, lo=lo, hi=hi, idx0=idx0):
            b16 = b * 16
            v = idsb[pl.ds(idx0 + b16, 16)]
            first = v[0]
            last = v[15]
            fast = (b16 >= lo) & (b16 + 16 <= hi) & (first == last)

            @pl.when(fast)
            def _():
                f = [[buf[pl.ds((b16 + i) * _D + 16 * c, 16)]
                      for c in range(8)] for i in range(16)]
                for c in range(8):
                    s = f[0][c]
                    q = f[0][c] * f[0][c]
                    mn = f[0][c]
                    mx = f[0][c]
                    for i in range(1, 16):
                        s = s + f[i][c]
                        q = q + f[i][c] * f[i][c]
                        mn = jnp.minimum(mn, f[i][c])
                        mx = jnp.maximum(mx, f[i][c])
                    sl = pl.ds(first * _D + 16 * c, 16)
                    asum[sl] = asum[sl] + s
                    asq[sl] = asq[sl] + q
                    amin[sl] = jnp.minimum(amin[sl], mn)
                    amax[sl] = jnp.maximum(amax[sl], mx)
                cl = pl.ds(first * 16, 16)
                acnt[cl] = acnt[cl] + 16.0

            @pl.when(jnp.logical_not(fast))
            def _():
                def _srow(r, cc):
                    br = b16 + r
                    valid = (br >= lo) & (br < hi)
                    seg = idsb[pl.ds(idx0 + br, 16)][0]
                    seg = jnp.where(valid, seg, _S)
                    for c in range(8):
                        fv = buf[pl.ds(br * _D + 16 * c, 16)]
                        sl = pl.ds(seg * _D + 16 * c, 16)
                        asum[sl] = asum[sl] + fv
                        asq[sl] = asq[sl] + fv * fv
                        amin[sl] = jnp.minimum(amin[sl], fv)
                        amax[sl] = jnp.maximum(amax[sl], fv)
                    cl = pl.ds(seg * 16, 16)
                    acnt[cl] = acnt[cl] + 1.0
                    return cc

                lax.fori_loop(0, 16, _srow, 0)

            return carry

        if k < 0:
            lax.fori_loop(0, _NB, _block, 0)

    pltpu.sync_copy(asum.at[pl.ds(0, _S * _D)],
                    osum.at[pl.ds(wid * _S * _D, _S * _D)])
    pltpu.sync_copy(amin.at[pl.ds(0, _S * _D)],
                    omin.at[pl.ds(wid * _S * _D, _S * _D)])
    pltpu.sync_copy(amax.at[pl.ds(0, _S * _D)],
                    omax.at[pl.ds(wid * _S * _D, _S * _D)])
    pltpu.sync_copy(asq.at[pl.ds(0, _S * _D)],
                    osq.at[pl.ds(wid * _S * _D, _S * _D)])
    pltpu.sync_copy(acnt.at[pl.ds(0, _S * 16)],
                    ocnt.at[pl.ds(wid * _S * 16, _S * 16)])


_sc_pool = functools.partial(
    pl.kernel,
    out_type=[
        jax.ShapeDtypeStruct((_NT * _S * _D,), _f32),
        jax.ShapeDtypeStruct((_NT * _S * _D,), _f32),
        jax.ShapeDtypeStruct((_NT * _S * _D,), _f32),
        jax.ShapeDtypeStruct((_NT * _S * _D,), _f32),
        jax.ShapeDtypeStruct((_NT * _S * 16,), _f32),
    ],
    mesh=plsc.VectorSubcoreMesh(core_axis_name="c", subcore_axis_name="s"),
    scratch_types=[
        pltpu.VMEM((_CH * _D,), _f32),
        pltpu.VMEM((_CH * _D,), _f32),
        pltpu.VMEM((_IDS_BUF,), jnp.int32),
        pltpu.VMEM((_SA * _D,), _f32),
        pltpu.VMEM((_SA * _D,), _f32),
        pltpu.VMEM((_SA * _D,), _f32),
        pltpu.VMEM((_SA * _D,), _f32),
        pltpu.VMEM((_SA * 16,), _f32),
        pltpu.SemaphoreType.DMA,
        pltpu.SemaphoreType.DMA,
        pltpu.SemaphoreType.DMA,
    ],
)(_sc_pool_body)


def _mlp_body(psum, pmin, pmax, psq, pcnt, w1t, b1, w2t, b2, out):
    s = psum[0]
    mn = pmin[0]
    mx = pmax[0]
    q = psq[0]
    c = pcnt[0]
    for i in range(1, _NT):
        s = s + psum[i]
        mn = jnp.minimum(mn, pmin[i])
        mx = jnp.maximum(mx, pmax[i])
        q = q + psq[i]
        c = c + pcnt[i]
    inv = 1.0 / jnp.maximum(c[:, 0:1], 1.0)
    mean = s * inv
    var = q * inv - mean * mean
    z = jnp.concatenate([mean, mn, mx, var], axis=1)
    h = jnp.dot(z, w1t[...], preferred_element_type=jnp.float32) + b1[...]
    h = jnp.maximum(h, 0.0)
    out[...] = jnp.dot(h, w2t[...], preferred_element_type=jnp.float32) + b2[...]


@jax.jit
def kernel(features, batch, W1, b1, W2, b2):
    ids = batch.astype(jnp.int32)
    psum, pmin, pmax, psq, pcnt = _sc_pool(features.reshape(-1), ids)
    g = W1.shape[0]
    out = pl.pallas_call(
        _mlp_body,
        out_shape=jax.ShapeDtypeStruct((_S, g), jnp.float32),
    )(psum.reshape(_NT, _S, _D), pmin.reshape(_NT, _S, _D),
      pmax.reshape(_NT, _S, _D), psq.reshape(_NT, _S, _D),
      pcnt.reshape(_NT, _S, 16),
      W1.T, b1.reshape(1, g), W2.T, b2.reshape(1, g))
    return out

# --- scband reference (transcript-rebuilt; emitter-appended) ---
"""Pipeline reference for scband-pooling-layer-8873402434049 (READ-ONLY COPY).

The authoritative reference and input builder live on the scoring server;
editing this copy changes nothing except your own understanding.
"""

import jax, jax.numpy as jnp
import numpy as np

N = 100000
D = 128
G = 256
S = 64

def setup_inputs(seed: int = 0) -> dict:
    key = jax.random.key(seed)
    k1, k2, k3, k4 = jax.random.split(key, 4)
    features = jax.random.normal(k1, (N, D), dtype=jnp.float32)
    batch = jnp.sort(jax.random.randint(k2, (N,), 0, S, dtype=jnp.int64))
    W1 = jax.random.normal(k3, (G, 4 * D), dtype=jnp.float32) * 0.02
    b1 = jnp.zeros((G,), dtype=jnp.float32)
    W2 = jax.random.normal(k4, (G, G), dtype=jnp.float32) * 0.02
    b2 = jnp.zeros((G,), dtype=jnp.float32)
    return {"features": features, "batch": batch, "W1": W1, "b1": b1, "W2": W2, "b2": b2}

def reference(features, batch, W1, b1, W2, b2):
    num_segments = S
    ones = jnp.ones((features.shape[0],), dtype=features.dtype)
    counts = jax.ops.segment_sum(ones, batch, num_segments=num_segments)
    counts = jnp.maximum(counts, 1.0)[:, None]
    m = jax.ops.segment_sum(features, batch, num_segments=num_segments) / counts
    ma = jax.ops.segment_max(features, batch, num_segments=num_segments)
    mi = -jax.ops.segment_max(-features, batch, num_segments=num_segments)
    m2 = jax.ops.segment_sum(features ** 2, batch, num_segments=num_segments) / counts
    std = m2 - m ** 2
    z = jnp.hstack((m, mi, ma, std))
    out = z @ W1.T + b1
    out = jnp.maximum(out, 0.0)
    out = out @ W2.T + b2
    return out

if __name__ == "__main__":
    import jax
    _d = setup_inputs()
    print(jax.jit(kernel)(*tuple(_d.values())))

</pallas_src>

<mosaic_0001>
#map = affine_map<(d0, d1) -> (0)>
module attributes {stable_mosaic.version = 14 : i64} {
  func.func @_sc_pool_body(%arg0: i32, %arg1: i32, %arg2: memref<12800000xf32, #tpu.memory_space<hbm>>, %arg3: memref<100000xi32, #tpu.memory_space<hbm>>, %arg4: memref<262144xf32, #tpu.memory_space<hbm>>, %arg5: memref<262144xf32, #tpu.memory_space<hbm>>, %arg6: memref<262144xf32, #tpu.memory_space<hbm>>, %arg7: memref<262144xf32, #tpu.memory_space<hbm>>, %arg8: memref<32768xf32, #tpu.memory_space<hbm>>, %arg9: memref<40960xf32, #tpu.memory_space<vmem>>, %arg10: memref<40960xf32, #tpu.memory_space<vmem>>, %arg11: memref<3232xi32, #tpu.memory_space<vmem>>, %arg12: memref<8320xf32, #tpu.memory_space<vmem>>, %arg13: memref<8320xf32, #tpu.memory_space<vmem>>, %arg14: memref<8320xf32, #tpu.memory_space<vmem>>, %arg15: memref<8320xf32, #tpu.memory_space<vmem>>, %arg16: memref<1040xf32, #tpu.memory_space<vmem>>, %arg17: memref<!tpu.dma_semaphore, #tpu.memory_space<semaphore_mem>>, %arg18: memref<!tpu.dma_semaphore, #tpu.memory_space<semaphore_mem>>, %arg19: memref<!tpu.dma_semaphore, #tpu.memory_space<semaphore_mem>>) attributes {dimension_semantics = [#tpu.dimension_semantics<core_parallel>, #tpu.dimension_semantics<subcore_parallel>], iteration_bounds = array<i64: 2, 16>, scalar_prefetch = 0 : i64, scratch_operands = 11 : i64, tpu.core_type = #tpu.core_type<sc_vector_subcore>, window_params = [{transform_indices = #map}, {transform_indices = #map}, {transform_indices = #map}, {transform_indices = #map}, {transform_indices = #map}, {transform_indices = #map}, {transform_indices = #map}]} {
    %mul3A = arith.constant 2 : i32
    %mul3A_0 = arith.muli %arg1, %mul3A : i32
    %add3A = arith.addi %mul3A_0, %arg0 : i32
    %mul3A_1 = arith.constant 3200 : i32
    %mul3A_2 = arith.muli %add3A, %mul3A_1 : i32
    %min3A = arith.constant 96784 : i32
    %min3A_3 = arith.minsi %mul3A_2, %min3A : i32
    %multiple_of3A = tpu.assume_multiple %min3A_3, 16 : i32
    %dma_start3A = arith.constant 0 : i32
    %dma_start3A_4 = tpu.memref_slice %arg11[%dma_start3A] : memref<3232xi32, #tpu.memory_space<vmem>> -> memref<3216xi32, #tpu.memory_space<vmem>>
    %dma_start3A_5 = tpu.memref_slice %arg3[%multiple_of3A] : memref<100000xi32, #tpu.memory_space<hbm>> -> memref<3216xi32, #tpu.memory_space<hbm>>
    %dma_start3A_6 = arith.constant 0 : i32
    %dma_start3A_7 = tpu.memref_slice %arg11[%dma_start3A_6] : memref<3232xi32, #tpu.memory_space<vmem>> -> memref<3216xi32, #tpu.memory_space<vmem>>
    %dma_start3A_8 = tpu.memref_slice %arg3[%multiple_of3A] : memref<100000xi32, #tpu.memory_space<hbm>> -> memref<3216xi32, #tpu.memory_space<hbm>>
    tpu.enqueue_dma source(%dma_start3A_8 : memref<3216xi32, #tpu.memory_space<hbm>>) target(%dma_start3A_7 : memref<3216xi32, #tpu.memory_space<vmem>>) target_semaphore(%arg19 : memref<!tpu.dma_semaphore, #tpu.memory_space<semaphore_mem>>)
    %add3A_9 = arith.constant 0 : i32
    %add3A_10 = arith.addi %mul3A_2, %add3A_9 : i32
    %min3A_11 = arith.constant 99680 : i32
    %min3A_12 = arith.minsi %add3A_10, %min3A_11 : i32
    %multiple_of3A_13 = tpu.assume_multiple %min3A_12, 8 : i32
    %mul3A_14 = arith.constant 128 : i32
    %mul3A_15 = arith.muli %multiple_of3A_13, %mul3A_14 : i32
    %dma_start3A_16 = tpu.memref_slice %arg2[%mul3A_15] : memref<12800000xf32, #tpu.memory_space<hbm>> -> memref<40960xf32, #tpu.memory_space<hbm>>
    %dma_start3A_17 = tpu.memref_slice %arg2[%mul3A_15] : memref<12800000xf32, #tpu.memory_space<hbm>> -> memref<40960xf32, #tpu.memory_space<hbm>>
    tpu.enqueue_dma source(%dma_start3A_17 : memref<40960xf32, #tpu.memory_space<hbm>>) target(%arg9 : memref<40960xf32, #tpu.memory_space<vmem>>) target_semaphore(%arg17 : memref<!tpu.dma_semaphore, #tpu.memory_space<semaphore_mem>>)
    %broadcast_in_dim3A = arith.constant 0.000000e+00 : f32
    %broadcast_in_dim3A_18 = vector.broadcast %broadcast_in_dim3A : f32 to vector<16xf32>
    %broadcast_in_dim3A_19 = arith.constant 0xFF800000 : f32
    %broadcast_in_dim3A_20 = vector.broadcast %broadcast_in_dim3A_19 : f32 to vector<16xf32>
    %broadcast_in_dim3A_21 = arith.constant 0x7F800000 : f32
    %broadcast_in_dim3A_22 = vector.broadcast %broadcast_in_dim3A_21 : f32 to vector<16xf32>
    %scan3A = arith.constant 0 : i32
    %scan3A_23 = arith.constant 0 : i32
    %scan3A_24 = arith.constant 65 : i32
    %scan3A_25 = arith.addi %scan3A_23, %scan3A_24 : i32
    %scan3A_26 = arith.constant 1 : i32
    scf.for %scan3A_281 = %scan3A_23 to %scan3A_25 step %scan3A_26  : i32 {
      %mul3A_282 = arith.constant 128 : i32
      %mul3A_283 = arith.muli %scan3A_281, %mul3A_282 : i32
      %add3A_284 = arith.constant 0 : i32
      %add3A_285 = arith.addi %mul3A_283, %add3A_284 : i32
      %swap3A = arith.index_cast %add3A_285 : i32 to index
      %swap3A_286 = tpu.vector_load %arg12[%swap3A] {strides = array<i32>} : memref<8320xf32, #tpu.memory_space<vmem>>, vector<16xf32>,
      %swap3A_287 = vector.shape_cast %swap3A_286 : vector<16xf32> to vector<16xf32>
      %swap3A_288 = vector.shape_cast %broadcast_in_dim3A_18 : vector<16xf32> to vector<16xf32>
      tpu.vector_store %arg12[%swap3A], %swap3A_288 {strides = array<i32>} : memref<8320xf32, #tpu.memory_space<vmem>>, vector<16xf32>,
      %swap3A_289 = arith.index_cast %add3A_285 : i32 to index
      %swap3A_290 = tpu.vector_load %arg15[%swap3A_289] {strides = array<i32>} : memref<8320xf32, #tpu.memory_space<vmem>>, vector<16xf32>,
      %swap3A_291 = vector.shape_cast %swap3A_290 : vector<16xf32> to vector<16xf32>
      %swap3A_292 = vector.shape_cast %broadcast_in_dim3A_18 : vector<16xf32> to vector<16xf32>
      tpu.vector_store %arg15[%swap3A_289], %swap3A_292 {strides = array<i32>} : memref<8320xf32, #tpu.memory_space<vmem>>, vector<16xf32>,
      %swap3A_293 = arith.index_cast %add3A_285 : i32 to index
      %swap3A_294 = tpu.vector_load %arg13[%swap3A_293] {strides = array<i32>} : memref<8320xf32, #tpu.memory_space<vmem>>, vector<16xf32>,
      %swap3A_295 = vector.shape_cast %swap3A_294 : vector<16xf32> to vector<16xf32>
      %swap3A_296 = vector.shape_cast %broadcast_in_dim3A_22 : vector<16xf32> to vector<16xf32>
      tpu.vector_store %arg13[%swap3A_293], %swap3A_296 {strides = array<i32>} : memref<8320xf32, #tpu.memory_space<vmem>>, vector<16xf32>,
      %swap3A_297 = arith.index_cast %add3A_285 : i32 to index
      %swap3A_298 = tpu.vector_load %arg14[%swap3A_297] {strides = array<i32>} : memref<8320xf32, #tpu.memory_space<vmem>>, vector<16xf32>,
      %swap3A_299 = vector.shape_cast %swap3A_298 : vector<16xf32> to vector<16xf32>
      %swap3A_300 = vector.shape_cast %broadcast_in_dim3A_20 : vector<16xf32> to vector<16xf32>
      tpu.vector_store %arg14[%swap3A_297], %swap3A_300 {strides = array<i32>} : memref<8320xf32, #tpu.memory_space<vmem>>, vector<16xf32>,
      %mul3A_301 = arith.constant 128 : i32
      %mul3A_302 = arith.muli %scan3A_281, %mul3A_301 : i32
      %add3A_303 = arith.constant 16 : i32
      %add3A_304 = arith.addi %mul3A_302, %add3A_303 : i32
      %swap3A_305 = arith.index_cast %add3A_304 : i32 to index
      %swap3A_306 = tpu.vector_load %arg12[%swap3A_305] {strides = array<i32>} : memref<8320xf32, #tpu.memory_space<vmem>>, vector<16xf32>,
      %swap3A_307 = vector.shape_cast %swap3A_306 : vector<16xf32> to vector<16xf32>
      %swap3A_308 = vector.shape_cast %broadcast_in_dim3A_18 : vector<16xf32> to vector<16xf32>
      tpu.vector_store %arg12[%swap3A_305], %swap3A_308 {strides = array<i32>} : memref<8320xf32, #tpu.memory_space<vmem>>, vector<16xf32>,
      %swap3A_309 = arith.index_cast %add3A_304 : i32 to index
      %swap3A_310 = tpu.vector_load %arg15[%swap3A_309] {strides = array<i32>} : memref<8320xf32, #tpu.memory_space<vmem>>, vector<16xf32>,
      %swap3A_311 = vector.shape_cast %swap3A_310 : vector<16xf32> to vector<16xf32>
      %swap3A_312 = vector.shape_cast %broadcast_in_dim3A_18 : vector<16xf32> to vector<16xf32>
      tpu.vector_store %arg15[%swap3A_309], %swap3A_312 {strides = array<i32>} : memref<8320xf32, #tpu.memory_space<vmem>>, vector<16xf32>,
      %swap3A_313 = arith.index_cast %add3A_304 : i32 to index
      %swap3A_314 = tpu.vector_load %arg13[%swap3A_313] {strides = array<i32>} : memref<8320xf32, #tpu.memory_space<vmem>>, vector<16xf32>,
      %swap3A_315 = vector.shape_cast %swap3A_314 : vector<16xf32> to vector<16xf32>
      %swap3A_316 = vector.shape_cast %broadcast_in_dim3A_22 : vector<16xf32> to vector<16xf32>
      tpu.vector_store %arg13[%swap3A_313], %swap3A_316 {strides = array<i32>} : memref<8320xf32, #tpu.memory_space<vmem>>, vector<16xf32>,
      %swap3A_317 = arith.index_cast %add3A_304 : i32 to index
      %swap3A_318 = tpu.vector_load %arg14[%swap3A_317] {strides = array<i32>} : memref<8320xf32, #tpu.memory_space<vmem>>, vector<16xf32>,
      %swap3A_319 = vector.shape_cast %swap3A_318 : vector<16xf32> to vector<16xf32>
      %swap3A_320 = vector.shape_cast %broadcast_in_dim3A_20 : vector<16xf32> to vector<16xf32>
      tpu.vector_store %arg14[%swap3A_317], %swap3A_320 {strides = array<i32>} : memref<8320xf32, #tpu.memory_space<vmem>>, vector<16xf32>,
      %mul3A_321 = arith.constant 128 : i32
      %mul3A_322 = arith.muli %scan3A_281, %mul3A_321 : i32
      %add3A_323 = arith.constant 32 : i32
      %add3A_324 = arith.addi %mul3A_322, %add3A_323 : i32
      %swap3A_325 = arith.index_cast %add3A_324 : i32 to index
      %swap3A_326 = tpu.vector_load %arg12[%swap3A_325] {strides = array<i32>} : memref<8320xf32, #tpu.memory_space<vmem>>, vector<16xf32>,
      %swap3A_327 = vector.shape_cast %swap3A_326 : vector<16xf32> to vector<16xf32>
      %swap3A_328 = vector.shape_cast %broadcast_in_dim3A_18 : vector<16xf32> to vector<16xf32>
      tpu.vector_store %arg12[%swap3A_325], %swap3A_328 {strides = array<i32>} : memref<8320xf32, #tpu.memory_space<vmem>>, vector<16xf32>,
      %swap3A_329 = arith.index_cast %add3A_324 : i32 to index
      %swap3A_330 = tpu.vector_load %arg15[%swap3A_329] {strides = array<i32>} : memref<8320xf32, #tpu.memory_space<vmem>>, vector<16xf32>,
      %swap3A_331 = vector.shape_cast %swap3A_330 : vector<16xf32> to vector<16xf32>
      %swap3A_332 = vector.shape_cast %broadcast_in_dim3A_18 : vector<16xf32> to vector<16xf32>
      tpu.vector_store %arg15[%swap3A_329], %swap3A_332 {strides = array<i32>} : memref<8320xf32, #tpu.memory_space<vmem>>, vector<16xf32>,
      %swap3A_333 = arith.index_cast %add3A_324 : i32 to index
      %swap3A_334 = tpu.vector_load %arg13[%swap3A_333] {strides = array<i32>} : memref<8320xf32, #tpu.memory_space<vmem>>, vector<16xf32>,
      %swap3A_335 = vector.shape_cast %swap3A_334 : vector<16xf32> to vector<16xf32>
      %swap3A_336 = vector.shape_cast %broadcast_in_dim3A_22 : vector<16xf32> to vector<16xf32>
      tpu.vector_store %arg13[%swap3A_333], %swap3A_336 {strides = array<i32>} : memref<8320xf32, #tpu.memory_space<vmem>>, vector<16xf32>,
      %swap3A_337 = arith.index_cast %add3A_324 : i32 to index
      %swap3A_338 = tpu.vector_load %arg14[%swap3A_337] {strides = array<i32>} : memref<8320xf32, #tpu.memory_space<vmem>>, vector<16xf32>,
      %swap3A_339 = vector.shape_cast %swap3A_338 : vector<16xf32> to vector<16xf32>
      %swap3A_340 = vector.shape_cast %broadcast_in_dim3A_20 : vector<16xf32> to vector<16xf32>
      tpu.vector_store %arg14[%swap3A_337], %swap3A_340 {strides = array<i32>} : memref<8320xf32, #tpu.memory_space<vmem>>, vector<16xf32>,
      %mul3A_341 = arith.constant 128 : i32
      %mul3A_342 = arith.muli %scan3A_281, %mul3A_341 : i32
      %add3A_343 = arith.constant 48 : i32
      %add3A_344 = arith.addi %mul3A_342, %add3A_343 : i32
      %swap3A_345 = arith.index_cast %add3A_344 : i32 to index
      %swap3A_346 = tpu.vector_load %arg12[%swap3A_345] {strides = array<i32>} : memref<8320xf32, #tpu.memory_space<vmem>>, vector<16xf32>,
      %swap3A_347 = vector.shape_cast %swap3A_346 : vector<16xf32> to vector<16xf32>
      %swap3A_348 = vector.shape_cast %broadcast_in_dim3A_18 : vector<16xf32> to vector<16xf32>
      tpu.vector_store %arg12[%swap3A_345], %swap3A_348 {strides = array<i32>} : memref<8320xf32, #tpu.memory_space<vmem>>, vector<16xf32>,
      %swap3A_349 = arith.index_cast %add3A_344 : i32 to index
      %swap3A_350 = tpu.vector_load %arg15[%swap3A_349] {strides = array<i32>} : memref<8320xf32, #tpu.memory_space<vmem>>, vector<16xf32>,
      %swap3A_351 = vector.shape_cast %swap3A_350 : vector<16xf32> to vector<16xf32>
      %swap3A_352 = vector.shape_cast %broadcast_in_dim3A_18 : vector<16xf32> to vector<16xf32>
      tpu.vector_store %arg15[%swap3A_349], %swap3A_352 {strides = array<i32>} : memref<8320xf32, #tpu.memory_space<vmem>>, vector<16xf32>,
      %swap3A_353 = arith.index_cast %add3A_344 : i32 to index
      %swap3A_354 = tpu.vector_load %arg13[%swap3A_353] {strides = array<i32>} : memref<8320xf32, #tpu.memory_space<vmem>>, vector<16xf32>,
      %swap3A_355 = vector.shape_cast %swap3A_354 : vector<16xf32> to vector<16xf32>
      %swap3A_356 = vector.shape_cast %broadcast_in_dim3A_22 : vector<16xf32> to vector<16xf32>
      tpu.vector_store %arg13[%swap3A_353], %swap3A_356 {strides = array<i32>} : memref<8320xf32, #tpu.memory_space<vmem>>, vector<16xf32>,
      %swap3A_357 = arith.index_cast %add3A_344 : i32 to index
      %swap3A_358 = tpu.vector_load %arg14[%swap3A_357] {strides = array<i32>} : memref<8320xf32, #tpu.memory_space<vmem>>, vector<16xf32>,
      %swap3A_359 = vector.shape_cast %swap3A_358 : vector<16xf32> to vector<16xf32>
      %swap3A_360 = vector.shape_cast %broadcast_in_dim3A_20 : vector<16xf32> to vector<16xf32>
      tpu.vector_store %arg14[%swap3A_357], %swap3A_360 {strides = array<i32>} : memref<8320xf32, #tpu.memory_space<vmem>>, vector<16xf32>,
      %mul3A_361 = arith.constant 128 : i32
      %mul3A_362 = arith.muli %scan3A_281, %mul3A_361 : i32
      %add3A_363 = arith.constant 64 : i32
      %add3A_364 = arith.addi %mul3A_362, %add3A_363 : i32
      %swap3A_365 = arith.index_cast %add3A_364 : i32 to index
      %swap3A_366 = tpu.vector_load %arg12[%swap3A_365] {strides = array<i32>} : memref<8320xf32, #tpu.memory_space<vmem>>, vector<16xf32>,
      %swap3A_367 = vector.shape_cast %swap3A_366 : vector<16xf32> to vector<16xf32>
      %swap3A_368 = vector.shape_cast %broadcast_in_dim3A_18 : vector<16xf32> to vector<16xf32>
      tpu.vector_store %arg12[%swap3A_365], %swap3A_368 {strides = array<i32>} : memref<8320xf32, #tpu.memory_space<vmem>>, vector<16xf32>,
      %swap3A_369 = arith.index_cast %add3A_364 : i32 to index
      %swap3A_370 = tpu.vector_load %arg15[%swap3A_369] {strides = array<i32>} : memref<8320xf32, #tpu.memory_space<vmem>>, vector<16xf32>,
      %swap3A_371 = vector.shape_cast %swap3A_370 : vector<16xf32> to vector<16xf32>
      %swap3A_372 = vector.shape_cast %broadcast_in_dim3A_18 : vector<16xf32> to vector<16xf32>
      tpu.vector_store %arg15[%swap3A_369], %swap3A_372 {strides = array<i32>} : memref<8320xf32, #tpu.memory_space<vmem>>, vector<16xf32>,
      %swap3A_373 = arith.index_cast %add3A_364 : i32 to index
      %swap3A_374 = tpu.vector_load %arg13[%swap3A_373] {strides = array<i32>} : memref<8320xf32, #tpu.memory_space<vmem>>, vector<16xf32>,
      %swap3A_375 = vector.shape_cast %swap3A_374 : vector<16xf32> to vector<16xf32>
      %swap3A_376 = vector.shape_cast %broadcast_in_dim3A_22 : vector<16xf32> to vector<16xf32>
      tpu.vector_store %arg13[%swap3A_373], %swap3A_376 {strides = array<i32>} : memref<8320xf32, #tpu.memory_space<vmem>>, vector<16xf32>,
      %swap3A_377 = arith.index_cast %add3A_364 : i32 to index
      %swap3A_378 = tpu.vector_load %arg14[%swap3A_377] {strides = array<i32>} : memref<8320xf32, #tpu.memory_space<vmem>>, vector<16xf32>,
      %swap3A_379 = vector.shape_cast %swap3A_378 : vector<16xf32> to vector<16xf32>
      %swap3A_380 = vector.shape_cast %broadcast_in_dim3A_20 : vector<16xf32> to vector<16xf32>
      tpu.vector_store %arg14[%swap3A_377], %swap3A_380 {strides = array<i32>} : memref<8320xf32, #tpu.memory_space<vmem>>, vector<16xf32>,
      %mul3A_381 = arith.constant 128 : i32
      %mul3A_382 = arith.muli %scan3A_281, %mul3A_381 : i32
      %add3A_383 = arith.constant 80 : i32
      %add3A_384 = arith.addi %mul3A_382, %add3A_383 : i32
      %swap3A_385 = arith.index_cast %add3A_384 : i32 to index
      %swap3A_386 = tpu.vector_load %arg12[%swap3A_385] {strides = array<i32>} : memref<8320xf32, #tpu.memory_space<vmem>>, vector<16xf32>,
      %swap3A_387 = vector.shape_cast %swap3A_386 : vector<16xf32> to vector<16xf32>
      %swap3A_388 = vector.shape_cast %broadcast_in_dim3A_18 : vector<16xf32> to vector<16xf32>
      tpu.vector_store %arg12[%swap3A_385], %swap3A_388 {strides = array<i32>} : memref<8320xf32, #tpu.memory_space<vmem>>, vector<16xf32>,
      %swap3A_389 = arith.index_cast %add3A_384 : i32 to index
      %swap3A_390 = tpu.vector_load %arg15[%swap3A_389] {strides = array<i32>} : memref<8320xf32, #tpu.memory_space<vmem>>, vector<16xf32>,
      %swap3A_391 = vector.shape_cast %swap3A_390 : vector<16xf32> to vector<16xf32>
      %swap3A_392 = vector.shape_cast %broadcast_in_dim3A_18 : vector<16xf32> to vector<16xf32>
      tpu.vector_store %arg15[%swap3A_389], %swap3A_392 {strides = array<i32>} : memref<8320xf32, #tpu.memory_space<vmem>>, vector<16xf32>,
      %swap3A_393 = arith.index_cast %add3A_384 : i32 to index
      %swap3A_394 = tpu.vector_load %arg13[%swap3A_393] {strides = array<i32>} : memref<8320xf32, #tpu.memory_space<vmem>>, vector<16xf32>,
      %swap3A_395 = vector.shape_cast %swap3A_394 : vector<16xf32> to vector<16xf32>
      %swap3A_396 = vector.shape_cast %broadcast_in_dim3A_22 : vector<16xf32> to vector<16xf32>
      tpu.vector_store %arg13[%swap3A_393], %swap3A_396 {strides = array<i32>} : memref<8320xf32, #tpu.memory_space<vmem>>, vector<16xf32>,
      %swap3A_397 = arith.index_cast %add3A_384 : i32 to index
      %swap3A_398 = tpu.vector_load %arg14[%swap3A_397] {strides = array<i32>} : memref<8320xf32, #tpu.memory_space<vmem>>, vector<16xf32>,
      %swap3A_399 = vector.shape_cast %swap3A_398 : vector<16xf32> to vector<16xf32>
      %swap3A_400 = vector.shape_cast %broadcast_in_dim3A_20 : vector<16xf32> to vector<16xf32>
      tpu.vector_store %arg14[%swap3A_397], %swap3A_400 {strides = array<i32>} : memref<8320xf32, #tpu.memory_space<vmem>>, vector<16xf32>,
      %mul3A_401 = arith.constant 128 : i32
      %mul3A_402 = arith.muli %scan3A_281, %mul3A_401 : i32
      %add3A_403 = arith.constant 96 : i32
      %add3A_404 = arith.addi %mul3A_402, %add3A_403 : i32
      %swap3A_405 = arith.index_cast %add3A_404 : i32 to index
      %swap3A_406 = tpu.vector_load %arg12[%swap3A_405] {strides = array<i32>} : memref<8320xf32, #tpu.memory_space<vmem>>, vector<16xf32>,
      %swap3A_407 = vector.shape_cast %swap3A_406 : vector<16xf32> to vector<16xf32>
      %swap3A_408 = vector.shape_cast %broadcast_in_dim3A_18 : vector<16xf32> to vector<16xf32>
      tpu.vector_store %arg12[%swap3A_405], %swap3A_408 {strides = array<i32>} : memref<8320xf32, #tpu.memory_space<vmem>>, vector<16xf32>,
      %swap3A_409 = arith.index_cast %add3A_404 : i32 to index
      %swap3A_410 = tpu.vector_load %arg15[%swap3A_409] {strides = array<i32>} : memref<8320xf32, #tpu.memory_space<vmem>>, vector<16xf32>,
      %swap3A_411 = vector.shape_cast %swap3A_410 : vector<16xf32> to vector<16xf32>
      %swap3A_412 = vector.shape_cast %broadcast_in_dim3A_18 : vector<16xf32> to vector<16xf32>
      tpu.vector_store %arg15[%swap3A_409], %swap3A_412 {strides = array<i32>} : memref<8320xf32, #tpu.memory_space<vmem>>, vector<16xf32>,
      %swap3A_413 = arith.index_cast %add3A_404 : i32 to index
      %swap3A_414 = tpu.vector_load %arg13[%swap3A_413] {strides = array<i32>} : memref<8320xf32, #tpu.memory_space<vmem>>, vector<16xf32>,
      %swap3A_415 = vector.shape_cast %swap3A_414 : vector<16xf32> to vector<16xf32>
      %swap3A_416 = vector.shape_cast %broadcast_in_dim3A_22 : vector<16xf32> to vector<16xf32>
      tpu.vector_store %arg13[%swap3A_413], %swap3A_416 {strides = array<i32>} : memref<8320xf32, #tpu.memory_space<vmem>>, vector<16xf32>,
      %swap3A_417 = arith.index_cast %add3A_404 : i32 to index
      %swap3A_418 = tpu.vector_load %arg14[%swap3A_417] {strides = array<i32>} : memref<8320xf32, #tpu.memory_space<vmem>>, vector<16xf32>,
      %swap3A_419 = vector.shape_cast %swap3A_418 : vector<16xf32> to vector<16xf32>
      %swap3A_420 = vector.shape_cast %broadcast_in_dim3A_20 : vector<16xf32> to vector<16xf32>
      tpu.vector_store %arg14[%swap3A_417], %swap3A_420 {strides = array<i32>} : memref<8320xf32, #tpu.memory_space<vmem>>, vector<16xf32>,
      %mul3A_421 = arith.constant 128 : i32
      %mul3A_422 = arith.muli %scan3A_281, %mul3A_421 : i32
      %add3A_423 = arith.constant 112 : i32
      %add3A_424 = arith.addi %mul3A_422, %add3A_423 : i32
      %swap3A_425 = arith.index_cast %add3A_424 : i32 to index
      %swap3A_426 = tpu.vector_load %arg12[%swap3A_425] {strides = array<i32>} : memref<8320xf32, #tpu.memory_space<vmem>>, vector<16xf32>,
      %swap3A_427 = vector.shape_cast %swap3A_426 : vector<16xf32> to vector<16xf32>
      %swap3A_428 = vector.shape_cast %broadcast_in_dim3A_18 : vector<16xf32> to vector<16xf32>
      tpu.vector_store %arg12[%swap3A_425], %swap3A_428 {strides = array<i32>} : memref<8320xf32, #tpu.memory_space<vmem>>, vector<16xf32>,
      %swap3A_429 = arith.index_cast %add3A_424 : i32 to index
      %swap3A_430 = tpu.vector_load %arg15[%swap3A_429] {strides = array<i32>} : memref<8320xf32, #tpu.memory_space<vmem>>, vector<16xf32>,
      %swap3A_431 = vector.shape_cast %swap3A_430 : vector<16xf32> to vector<16xf32>
      %swap3A_432 = vector.shape_cast %broadcast_in_dim3A_18 : vector<16xf32> to vector<16xf32>
      tpu.vector_store %arg15[%swap3A_429], %swap3A_432 {strides = array<i32>} : memref<8320xf32, #tpu.memory_space<vmem>>, vector<16xf32>,
      %swap3A_433 = arith.index_cast %add3A_424 : i32 to index
      %swap3A_434 = tpu.vector_load %arg13[%swap3A_433] {strides = array<i32>} : memref<8320xf32, #tpu.memory_space<vmem>>, vector<16xf32>,
      %swap3A_435 = vector.shape_cast %swap3A_434 : vector<16xf32> to vector<16xf32>
      %swap3A_436 = vector.shape_cast %broadcast_in_dim3A_22 : vector<16xf32> to vector<16xf32>
      tpu.vector_store %arg13[%swap3A_433], %swap3A_436 {strides = array<i32>} : memref<8320xf32, #tpu.memory_space<vmem>>, vector<16xf32>,
      %swap3A_437 = arith.index_cast %add3A_424 : i32 to index
      %swap3A_438 = tpu.vector_load %arg14[%swap3A_437] {strides = array<i32>} : memref<8320xf32, #tpu.memory_space<vmem>>, vector<16xf32>,
      %swap3A_439 = vector.shape_cast %swap3A_438 : vector<16xf32> to vector<16xf32>
      %swap3A_440 = vector.shape_cast %broadcast_in_dim3A_20 : vector<16xf32> to vector<16xf32>
      tpu.vector_store %arg14[%swap3A_437], %swap3A_440 {strides = array<i32>} : memref<8320xf32, #tpu.memory_space<vmem>>, vector<16xf32>,
      %mul3A_441 = arith.constant 16 : i32
      %mul3A_442 = arith.muli %scan3A_281, %mul3A_441 : i32
      %swap3A_443 = arith.index_cast %mul3A_442 : i32 to index
      %swap3A_444 = tpu.vector_load %arg16[%swap3A_443] {strides = array<i32>} : memref<1040xf32, #tpu.memory_space<vmem>>, vector<16xf32>,
      %swap3A_445 = vector.shape_cast %swap3A_444 : vector<16xf32> to vector<16xf32>
      %swap3A_446 = vector.shape_cast %broadcast_in_dim3A_18 : vector<16xf32> to vector<16xf32>
      tpu.vector_store %arg16[%swap3A_443], %swap3A_446 {strides = array<i32>} : memref<1040xf32, #tpu.memory_space<vmem>>, vector<16xf32>,
    }
    %scan3A_27 = arith.constant 65 : i32
    %dma_wait3A = arith.constant 0 : i32
    %dma_wait3A_28 = tpu.memref_slice %arg11[%dma_wait3A] : memref<3232xi32, #tpu.memory_space<vmem>> -> memref<3216xi32, #tpu.memory_space<vmem>>
    %dma_wait3A_29 = tpu.memref_slice %arg3[%multiple_of3A] : memref<100000xi32, #tpu.memory_space<hbm>> -> memref<3216xi32, #tpu.memory_space<hbm>>
    %dma_wait3A_30 = arith.constant 0 : i32
    %dma_wait3A_31 = tpu.memref_slice %arg11[%dma_wait3A_30] : memref<3232xi32, #tpu.memory_space<vmem>> -> memref<3216xi32, #tpu.memory_space<vmem>>
    %dma_wait3A_32 = tpu.memref_slice %arg3[%multiple_of3A] : memref<100000xi32, #tpu.memory_space<hbm>> -> memref<3216xi32, #tpu.memory_space<hbm>>
    tpu.wait_dma2 semaphore(%arg19 : memref<!tpu.dma_semaphore, #tpu.memory_space<semaphore_mem>>) src(%dma_wait3A_32 : memref<3216xi32, #tpu.memory_space<hbm>>) dst(%dma_wait3A_31 : memref<3216xi32, #tpu.memory_space<vmem>>)
    %add3A_33 = arith.constant 320 : i32
    %add3A_34 = arith.addi %mul3A_2, %add3A_33 : i32
    %min3A_35 = arith.constant 99680 : i32
    %min3A_36 = arith.minsi %add3A_34, %min3A_35 : i32
    %multiple_of3A_37 = tpu.assume_multiple %min3A_36, 8 : i32
    %mul3A_38 = arith.constant 128 : i32
    %mul3A_39 = arith.muli %multiple_of3A_37, %mul3A_38 : i32
    %dma_start3A_40 = tpu.memref_slice %arg2[%mul3A_39] : memref<12800000xf32, #tpu.memory_space<hbm>> -> memref<40960xf32, #tpu.memory_space<hbm>>
    %dma_start3A_41 = tpu.memref_slice %arg2[%mul3A_39] : memref<12800000xf32, #tpu.memory_space<hbm>> -> memref<40960xf32, #tpu.memory_space<hbm>>
    tpu.enqueue_dma source(%dma_start3A_41 : memref<40960xf32, #tpu.memory_space<hbm>>) target(%arg10 : memref<40960xf32, #tpu.memory_space<vmem>>) target_semaphore(%arg18 : memref<!tpu.dma_semaphore, #tpu.memory_space<semaphore_mem>>)
    %dma_wait3A_42 = tpu.memref_slice %arg2[%mul3A_15] : memref<12800000xf32, #tpu.memory_space<hbm>> -> memref<40960xf32, #tpu.memory_space<hbm>>
    %dma_wait3A_43 = tpu.memref_slice %arg2[%mul3A_15] : memref<12800000xf32, #tpu.memory_space<hbm>> -> memref<40960xf32, #tpu.memory_space<hbm>>
    tpu.wait_dma2 semaphore(%arg17 : memref<!tpu.dma_semaphore, #tpu.memory_space<semaphore_mem>>) src(%dma_wait3A_43 : memref<40960xf32, #tpu.memory_space<hbm>>) dst(%arg9 : memref<40960xf32, #tpu.memory_space<vmem>>)
    %add3A_44 = arith.constant 0 : i32
    %add3A_45 = arith.addi %mul3A_2, %add3A_44 : i32
    %min3A_46 = arith.constant 99680 : i32
    %min3A_47 = arith.minsi %add3A_45, %min3A_46 : i32
    %sub3A = arith.constant 100000 : i32
    %sub3A_48 = arith.subi %sub3A, %min3A_47 : i32
    %jit3A = arith.constant 0 : i32
    %jit3A_49 = arith.constant 320 : i32
    %max3A = arith.maxsi %jit3A, %sub3A_48 : i32
    %min3A_50 = arith.minsi %jit3A_49, %max3A : i32
    %sub3A_51 = arith.subi %add3A_45, %min3A_47 : i32
    %min3A_52 = arith.minsi %sub3A_51, %min3A_50 : i32
    %sub3A_53 = arith.subi %min3A_47, %multiple_of3A : i32
    %add3A_54 = arith.constant 640 : i32
    %add3A_55 = arith.addi %mul3A_2, %add3A_54 : i32
    %min3A_56 = arith.constant 99680 : i32
    %min3A_57 = arith.minsi %add3A_55, %min3A_56 : i32
    %multiple_of3A_58 = tpu.assume_multiple %min3A_57, 8 : i32
    %mul3A_59 = arith.constant 128 : i32
    %mul3A_60 = arith.muli %multiple_of3A_58, %mul3A_59 : i32
    %dma_start3A_61 = tpu.memref_slice %arg2[%mul3A_60] : memref<12800000xf32, #tpu.memory_space<hbm>> -> memref<40960xf32, #tpu.memory_space<hbm>>
    %dma_start3A_62 = tpu.memref_slice %arg2[%mul3A_60] : memref<12800000xf32, #tpu.memory_space<hbm>> -> memref<40960xf32, #tpu.memory_space<hbm>>
    tpu.enqueue_dma source(%dma_start3A_62 : memref<40960xf32, #tpu.memory_space<hbm>>) target(%arg9 : memref<40960xf32, #tpu.memory_space<vmem>>) target_semaphore(%arg17 : memref<!tpu.dma_semaphore, #tpu.memory_space<semaphore_mem>>)
    %dma_wait3A_63 = tpu.memref_slice %arg2[%mul3A_39] : memref<12800000xf32, #tpu.memory_space<hbm>> -> memref<40960xf32, #tpu.memory_space<hbm>>
    %dma_wait3A_64 = tpu.memref_slice %arg2[%mul3A_39] : memref<12800000xf32, #tpu.memory_space<hbm>> -> memref<40960xf32, #tpu.memory_space<hbm>>
    tpu.wait_dma2 semaphore(%arg18 : memref<!tpu.dma_semaphore, #tpu.memory_space<semaphore_mem>>) src(%dma_wait3A_64 : memref<40960xf32, #tpu.memory_space<hbm>>) dst(%arg10 : memref<40960xf32, #tpu.memory_space<vmem>>)
    %add3A_65 = arith.constant 320 : i32
    %add3A_66 = arith.addi %mul3A_2, %add3A_65 : i32
    %min3A_67 = arith.constant 99680 : i32
    %min3A_68 = arith.minsi %add3A_66, %min3A_67 : i32
    %sub3A_69 = arith.constant 100000 : i32
    %sub3A_70 = arith.subi %sub3A_69, %min3A_68 : i32
    %jit3A_71 = arith.constant 0 : i32
    %jit3A_72 = arith.constant 320 : i32
    %max3A_73 = arith.maxsi %jit3A_71, %sub3A_70 : i32
    %min3A_74 = arith.minsi %jit3A_72, %max3A_73 : i32
    %sub3A_75 = arith.subi %add3A_66, %min3A_68 : i32
    %min3A_76 = arith.minsi %sub3A_75, %min3A_74 : i32
    %sub3A_77 = arith.subi %min3A_68, %multiple_of3A : i32
    %add3A_78 = arith.constant 960 : i32
    %add3A_79 = arith.addi %mul3A_2, %add3A_78 : i32
    %min3A_80 = arith.constant 99680 : i32
    %min3A_81 = arith.minsi %add3A_79, %min3A_80 : i32
    %multiple_of3A_82 = tpu.assume_multiple %min3A_81, 8 : i32
    %mul3A_83 = arith.constant 128 : i32
    %mul3A_84 = arith.muli %multiple_of3A_82, %mul3A_83 : i32
    %dma_start3A_85 = tpu.memref_slice %arg2[%mul3A_84] : memref<12800000xf32, #tpu.memory_space<hbm>> -> memref<40960xf32, #tpu.memory_space<hbm>>
    %dma_start3A_86 = tpu.memref_slice %arg2[%mul3A_84] : memref<12800000xf32, #tpu.memory_space<hbm>> -> memref<40960xf32, #tpu.memory_space<hbm>>
    tpu.enqueue_dma source(%dma_start3A_86 : memref<40960xf32, #tpu.memory_space<hbm>>) target(%arg10 : memref<40960xf32, #tpu.memory_space<vmem>>) target_semaphore(%arg18 : memref<!tpu.dma_semaphore, #tpu.memory_space<semaphore_mem>>)
    %dma_wait3A_87 = tpu.memref_slice %arg2[%mul3A_60] : memref<12800000xf32, #tpu.memory_space<hbm>> -> memref<40960xf32, #tpu.memory_space<hbm>>
    %dma_wait3A_88 = tpu.memref_slice %arg2[%mul3A_60] : memref<12800000xf32, #tpu.memory_space<hbm>> -> memref<40960xf32, #tpu.memory_space<hbm>>
    tpu.wait_dma2 semaphore(%arg17 : memref<!tpu.dma_semaphore, #tpu.memory_space<semaphore_mem>>) src(%dma_wait3A_88 : memref<40960xf32, #tpu.memory_space<hbm>>) dst(%arg9 : memref<40960xf32, #tpu.memory_space<vmem>>)
    %add3A_89 = arith.constant 640 : i32
    %add3A_90 = arith.addi %mul3A_2, %add3A_89 : i32
    %min3A_91 = arith.constant 99680 : i32
    %min3A_92 = arith.minsi %add3A_90, %min3A_91 : i32
    %sub3A_93 = arith.constant 100000 : i32
    %sub3A_94 = arith.subi %sub3A_93, %min3A_92 : i32
    %jit3A_95 = arith.constant 0 : i32
    %jit3A_96 = arith.constant 320 : i32
    %max3A_97 = arith.maxsi %jit3A_95, %sub3A_94 : i32
    %min3A_98 = arith.minsi %jit3A_96, %max3A_97 : i32
    %sub3A_99 = arith.subi %add3A_90, %min3A_92 : i32
    %min3A_100 = arith.minsi %sub3A_99, %min3A_98 : i32
    %sub3A_101 = arith.subi %min3A_92, %multiple_of3A : i32
    %add3A_102 = arith.constant 1280 : i32
    %add3A_103 = arith.addi %mul3A_2, %add3A_102 : i32
    %min3A_104 = arith.constant 99680 : i32
    %min3A_105 = arith.minsi %add3A_103, %min3A_104 : i32
    %multiple_of3A_106 = tpu.assume_multiple %min3A_105, 8 : i32
    %mul3A_107 = arith.constant 128 : i32
    %mul3A_108 = arith.muli %multiple_of3A_106, %mul3A_107 : i32
    %dma_start3A_109 = tpu.memref_slice %arg2[%mul3A_108] : memref<12800000xf32, #tpu.memory_space<hbm>> -> memref<40960xf32, #tpu.memory_space<hbm>>
    %dma_start3A_110 = tpu.memref_slice %arg2[%mul3A_108] : memref<12800000xf32, #tpu.memory_space<hbm>> -> memref<40960xf32, #tpu.memory_space<hbm>>
    tpu.enqueue_dma source(%dma_start3A_110 : memref<40960xf32, #tpu.memory_space<hbm>>) target(%arg9 : memref<40960xf32, #tpu.memory_space<vmem>>) target_semaphore(%arg17 : memref<!tpu.dma_semaphore, #tpu.memory_space<semaphore_mem>>)
    %dma_wait3A_111 = tpu.memref_slice %arg2[%mul3A_84] : memref<12800000xf32, #tpu.memory_space<hbm>> -> memref<40960xf32, #tpu.memory_space<hbm>>
    %dma_wait3A_112 = tpu.memref_slice %arg2[%mul3A_84] : memref<12800000xf32, #tpu.memory_space<hbm>> -> memref<40960xf32, #tpu.memory_space<hbm>>
    tpu.wait_dma2 semaphore(%arg18 : memref<!tpu.dma_semaphore, #tpu.memory_space<semaphore_mem>>) src(%dma_wait3A_112 : memref<40960xf32, #tpu.memory_space<hbm>>) dst(%arg10 : memref<40960xf32, #tpu.memory_space<vmem>>)
    %add3A_113 = arith.constant 960 : i32
    %add3A_114 = arith.addi %mul3A_2, %add3A_113 : i32
    %min3A_115 = arith.constant 99680 : i32
    %min3A_116 = arith.minsi %add3A_114, %min3A_115 : i32
    %sub3A_117 = arith.constant 100000 : i32
    %sub3A_118 = arith.subi %sub3A_117, %min3A_116 : i32
    %jit3A_119 = arith.constant 0 : i32
    %jit3A_120 = arith.constant 320 : i32
    %max3A_121 = arith.maxsi %jit3A_119, %sub3A_118 : i32
    %min3A_122 = arith.minsi %jit3A_120, %max3A_121 : i32
    %sub3A_123 = arith.subi %add3A_114, %min3A_116 : i32
    %min3A_124 = arith.minsi %sub3A_123, %min3A_122 : i32
    %sub3A_125 = arith.subi %min3A_116, %multiple_of3A : i32
    %add3A_126 = arith.constant 1600 : i32
    %add3A_127 = arith.addi %mul3A_2, %add3A_126 : i32
    %min3A_128 = arith.constant 99680 : i32
    %min3A_129 = arith.minsi %add3A_127, %min3A_128 : i32
    %multiple_of3A_130 = tpu.assume_multiple %min3A_129, 8 : i32
    %mul3A_131 = arith.constant 128 : i32
    %mul3A_132 = arith.muli %multiple_of3A_130, %mul3A_131 : i32
    %dma_start3A_133 = tpu.memref_slice %arg2[%mul3A_132] : memref<12800000xf32, #tpu.memory_space<hbm>> -> memref<40960xf32, #tpu.memory_space<hbm>>
    %dma_start3A_134 = tpu.memref_slice %arg2[%mul3A_132] : memref<12800000xf32, #tpu.memory_space<hbm>> -> memref<40960xf32, #tpu.memory_space<hbm>>
    tpu.enqueue_dma source(%dma_start3A_134 : memref<40960xf32, #tpu.memory_space<hbm>>) target(%arg10 : memref<40960xf32, #tpu.memory_space<vmem>>) target_semaphore(%arg18 : memref<!tpu.dma_semaphore, #tpu.memory_space<semaphore_mem>>)
    %dma_wait3A_135 = tpu.memref_slice %arg2[%mul3A_108] : memref<12800000xf32, #tpu.memory_space<hbm>> -> memref<40960xf32, #tpu.memory_space<hbm>>
    %dma_wait3A_136 = tpu.memref_slice %arg2[%mul3A_108] : memref<12800000xf32, #tpu.memory_space<hbm>> -> memref<40960xf32, #tpu.memory_space<hbm>>
    tpu.wait_dma2 semaphore(%arg17 : memref<!tpu.dma_semaphore, #tpu.memory_space<semaphore_mem>>) src(%dma_wait3A_136 : memref<40960xf32, #tpu.memory_space<hbm>>) dst(%arg9 : memref<40960xf32, #tpu.memory_space<vmem>>)
    %add3A_137 = arith.constant 1280 : i32
    %add3A_138 = arith.addi %mul3A_2, %add3A_137 : i32
    %min3A_139 = arith.constant 99680 : i32
    %min3A_140 = arith.minsi %add3A_138, %min3A_139 : i32
    %sub3A_141 = arith.constant 100000 : i32
    %sub3A_142 = arith.subi %sub3A_141, %min3A_140 : i32
    %jit3A_143 = arith.constant 0 : i32
    %jit3A_144 = arith.constant 320 : i32
    %max3A_145 = arith.maxsi %jit3A_143, %sub3A_142 : i32
    %min3A_146 = arith.minsi %jit3A_144, %max3A_145 : i32
    %sub3A_147 = arith.subi %add3A_138, %min3A_140 : i32
    %min3A_148 = arith.minsi %sub3A_147, %min3A_146 : i32
    %sub3A_149 = arith.subi %min3A_140, %multiple_of3A : i32
    %add3A_150 = arith.constant 1920 : i32
    %add3A_151 = arith.addi %mul3A_2, %add3A_150 : i32
    %min3A_152 = arith.constant 99680 : i32
    %min3A_153 = arith.minsi %add3A_151, %min3A_152 : i32
    %multiple_of3A_154 = tpu.assume_multiple %min3A_153, 8 : i32
    %mul3A_155 = arith.constant 128 : i32
    %mul3A_156 = arith.muli %multiple_of3A_154, %mul3A_155 : i32
    %dma_start3A_157 = tpu.memref_slice %arg2[%mul3A_156] : memref<12800000xf32, #tpu.memory_space<hbm>> -> memref<40960xf32, #tpu.memory_space<hbm>>
    %dma_start3A_158 = tpu.memref_slice %arg2[%mul3A_156] : memref<12800000xf32, #tpu.memory_space<hbm>> -> memref<40960xf32, #tpu.memory_space<hbm>>
    tpu.enqueue_dma source(%dma_start3A_158 : memref<40960xf32, #tpu.memory_space<hbm>>) target(%arg9 : memref<40960xf32, #tpu.memory_space<vmem>>) target_semaphore(%arg17 : memref<!tpu.dma_semaphore, #tpu.memory_space<semaphore_mem>>)
    %dma_wait3A_159 = tpu.memref_slice %arg2[%mul3A_132] : memref<12800000xf32, #tpu.memory_space<hbm>> -> memref<40960xf32, #tpu.memory_space<hbm>>
    %dma_wait3A_160 = tpu.memref_slice %arg2[%mul3A_132] : memref<12800000xf32, #tpu.memory_space<hbm>> -> memref<40960xf32, #tpu.memory_space<hbm>>
    tpu.wait_dma2 semaphore(%arg18 : memref<!tpu.dma_semaphore, #tpu.memory_space<semaphore_mem>>) src(%dma_wait3A_160 : memref<40960xf32, #tpu.memory_space<hbm>>) dst(%arg10 : memref<40960xf32, #tpu.memory_space<vmem>>)
    %add3A_161 = arith.constant 1600 : i32
    %add3A_162 = arith.addi %mul3A_2, %add3A_161 : i32
    %min3A_163 = arith.constant 99680 : i32
    %min3A_164 = arith.minsi %add3A_162, %min3A_163 : i32
    %sub3A_165 = arith.constant 100000 : i32
    %sub3A_166 = arith.subi %sub3A_165, %min3A_164 : i32
    %jit3A_167 = arith.constant 0 : i32
    %jit3A_168 = arith.constant 320 : i32
    %max3A_169 = arith.maxsi %jit3A_167, %sub3A_166 : i32
    %min3A_170 = arith.minsi %jit3A_168, %max3A_169 : i32
    %sub3A_171 = arith.subi %add3A_162, %min3A_164 : i32
    %min3A_172 = arith.minsi %sub3A_171, %min3A_170 : i32
    %sub3A_173 = arith.subi %min3A_164, %multiple_of3A : i32
    %add3A_174 = arith.constant 2240 : i32
    %add3A_175 = arith.addi %mul3A_2, %add3A_174 : i32
    %min3A_176 = arith.constant 99680 : i32
    %min3A_177 = arith.minsi %add3A_175, %min3A_176 : i32
    %multiple_of3A_178 = tpu.assume_multiple %min3A_177, 8 : i32
    %mul3A_179 = arith.constant 128 : i32
    %mul3A_180 = arith.muli %multiple_of3A_178, %mul3A_179 : i32
    %dma_start3A_181 = tpu.memref_slice %arg2[%mul3A_180] : memref<12800000xf32, #tpu.memory_space<hbm>> -> memref<40960xf32, #tpu.memory_space<hbm>>
    %dma_start3A_182 = tpu.memref_slice %arg2[%mul3A_180] : memref<12800000xf32, #tpu.memory_space<hbm>> -> memref<40960xf32, #tpu.memory_space<hbm>>
    tpu.enqueue_dma source(%dma_start3A_182 : memref<40960xf32, #tpu.memory_space<hbm>>) target(%arg10 : memref<40960xf32, #tpu.memory_space<vmem>>) target_semaphore(%arg18 : memref<!tpu.dma_semaphore, #tpu.memory_space<semaphore_mem>>)
    %dma_wait3A_183 = tpu.memref_slice %arg2[%mul3A_156] : memref<12800000xf32, #tpu.memory_space<hbm>> -> memref<40960xf32, #tpu.memory_space<hbm>>
    %dma_wait3A_184 = tpu.memref_slice %arg2[%mul3A_156] : memref<12800000xf32, #tpu.memory_space<hbm>> -> memref<40960xf32, #tpu.memory_space<hbm>>
    tpu.wait_dma2 semaphore(%arg17 : memref<!tpu.dma_semaphore, #tpu.memory_space<semaphore_mem>>) src(%dma_wait3A_184 : memref<40960xf32, #tpu.memory_space<hbm>>) dst(%arg9 : memref<40960xf32, #tpu.memory_space<vmem>>)
    %add3A_185 = arith.constant 1920 : i32
    %add3A_186 = arith.addi %mul3A_2, %add3A_185 : i32
    %min3A_187 = arith.constant 99680 : i32
    %min3A_188 = arith.minsi %add3A_186, %min3A_187 : i32
    %sub3A_189 = arith.constant 100000 : i32
    %sub3A_190 = arith.subi %sub3A_189, %min3A_188 : i32
    %jit3A_191 = arith.constant 0 : i32
    %jit3A_192 = arith.constant 320 : i32
    %max3A_193 = arith.maxsi %jit3A_191, %sub3A_190 : i32
    %min3A_194 = arith.minsi %jit3A_192, %max3A_193 : i32
    %sub3A_195 = arith.subi %add3A_186, %min3A_188 : i32
    %min3A_196 = arith.minsi %sub3A_195, %min3A_194 : i32
    %sub3A_197 = arith.subi %min3A_188, %multiple_of3A : i32
    %add3A_198 = arith.constant 2560 : i32
    %add3A_199 = arith.addi %mul3A_2, %add3A_198 : i32
    %min3A_200 = arith.constant 99680 : i32
    %min3A_201 = arith.minsi %add3A_199, %min3A_200 : i32
    %multiple_of3A_202 = tpu.assume_multiple %min3A_201, 8 : i32
    %mul3A_203 = arith.constant 128 : i32
    %mul3A_204 = arith.muli %multiple_of3A_202, %mul3A_203 : i32
    %dma_start3A_205 = tpu.memref_slice %arg2[%mul3A_204] : memref<12800000xf32, #tpu.memory_space<hbm>> -> memref<40960xf32, #tpu.memory_space<hbm>>
    %dma_start3A_206 = tpu.memref_slice %arg2[%mul3A_204] : memref<12800000xf32, #tpu.memory_space<hbm>> -> memref<40960xf32, #tpu.memory_space<hbm>>
    tpu.enqueue_dma source(%dma_start3A_206 : memref<40960xf32, #tpu.memory_space<hbm>>) target(%arg9 : memref<40960xf32, #tpu.memory_space<vmem>>) target_semaphore(%arg17 : memref<!tpu.dma_semaphore, #tpu.memory_space<semaphore_mem>>)
    %dma_wait3A_207 = tpu.memref_slice %arg2[%mul3A_180] : memref<12800000xf32, #tpu.memory_space<hbm>> -> memref<40960xf32, #tpu.memory_space<hbm>>
    %dma_wait3A_208 = tpu.memref_slice %arg2[%mul3A_180] : memref<12800000xf32, #tpu.memory_space<hbm>> -> memref<40960xf32, #tpu.memory_space<hbm>>
    tpu.wait_dma2 semaphore(%arg18 : memref<!tpu.dma_semaphore, #tpu.memory_space<semaphore_mem>>) src(%dma_wait3A_208 : memref<40960xf32, #tpu.memory_space<hbm>>) dst(%arg10 : memref<40960xf32, #tpu.memory_space<vmem>>)
    %add3A_209 = arith.constant 2240 : i32
    %add3A_210 = arith.addi %mul3A_2, %add3A_209 : i32
    %min3A_211 = arith.constant 99680 : i32
    %min3A_212 = arith.minsi %add3A_210, %min3A_211 : i32
    %sub3A_213 = arith.constant 100000 : i32
    %sub3A_214 = arith.subi %sub3A_213, %min3A_212 : i32
    %jit3A_215 = arith.constant 0 : i32
    %jit3A_216 = arith.constant 320 : i32
    %max3A_217 = arith.maxsi %jit3A_215, %sub3A_214 : i32
    %min3A_218 = arith.minsi %jit3A_216, %max3A_217 : i32
    %sub3A_219 = arith.subi %add3A_210, %min3A_212 : i32
    %min3A_220 = arith.minsi %sub3A_219, %min3A_218 : i32
    %sub3A_221 = arith.subi %min3A_212, %multiple_of3A : i32
    %add3A_222 = arith.constant 2880 : i32
    %add3A_223 = arith.addi %mul3A_2, %add3A_222 : i32
    %min3A_224 = arith.constant 99680 : i32
    %min3A_225 = arith.minsi %add3A_223, %min3A_224 : i32
    %multiple_of3A_226 = tpu.assume_multiple %min3A_225, 8 : i32
    %mul3A_227 = arith.constant 128 : i32
    %mul3A_228 = arith.muli %multiple_of3A_226, %mul3A_227 : i32
    %dma_start3A_229 = tpu.memref_slice %arg2[%mul3A_228] : memref<12800000xf32, #tpu.memory_space<hbm>> -> memref<40960xf32, #tpu.memory_space<hbm>>
    %dma_start3A_230 = tpu.memref_slice %arg2[%mul3A_228] : memref<12800000xf32, #tpu.memory_space<hbm>> -> memref<40960xf32, #tpu.memory_space<hbm>>
    tpu.enqueue_dma source(%dma_start3A_230 : memref<40960xf32, #tpu.memory_space<hbm>>) target(%arg10 : memref<40960xf32, #tpu.memory_space<vmem>>) target_semaphore(%arg18 : memref<!tpu.dma_semaphore, #tpu.memory_space<semaphore_mem>>)
    %dma_wait3A_231 = tpu.memref_slice %arg2[%mul3A_204] : memref<12800000xf32, #tpu.memory_space<hbm>> -> memref<40960xf32, #tpu.memory_space<hbm>>
    %dma_wait3A_232 = tpu.memref_slice %arg2[%mul3A_204] : memref<12800000xf32, #tpu.memory_space<hbm>> -> memref<40960xf32, #tpu.memory_space<hbm>>
    tpu.wait_dma2 semaphore(%arg17 : memref<!tpu.dma_semaphore, #tpu.memory_space<semaphore_mem>>) src(%dma_wait3A_232 : memref<40960xf32, #tpu.memory_space<hbm>>) dst(%arg9 : memref<40960xf32, #tpu.memory_space<vmem>>)
    %add3A_233 = arith.constant 2560 : i32
    %add3A_234 = arith.addi %mul3A_2, %add3A_233 : i32
    %min3A_235 = arith.constant 99680 : i32
    %min3A_236 = arith.minsi %add3A_234, %min3A_235 : i32
    %sub3A_237 = arith.constant 100000 : i32
    %sub3A_238 = arith.subi %sub3A_237, %min3A_236 : i32
    %jit3A_239 = arith.constant 0 : i32
    %jit3A_240 = arith.constant 320 : i32
    %max3A_241 = arith.maxsi %jit3A_239, %sub3A_238 : i32
    %min3A_242 = arith.minsi %jit3A_240, %max3A_241 : i32
    %sub3A_243 = arith.subi %add3A_234, %min3A_236 : i32
    %min3A_244 = arith.minsi %sub3A_243, %min3A_242 : i32
    %sub3A_245 = arith.subi %min3A_236, %multiple_of3A : i32
    %dma_wait3A_246 = tpu.memref_slice %arg2[%mul3A_228] : memref<12800000xf32, #tpu.memory_space<hbm>> -> memref<40960xf32, #tpu.memory_space<hbm>>
    %dma_wait3A_247 = tpu.memref_slice %arg2[%mul3A_228] : memref<12800000xf32, #tpu.memory_space<hbm>> -> memref<40960xf32, #tpu.memory_space<hbm>>
    tpu.wait_dma2 semaphore(%arg18 : memref<!tpu.dma_semaphore, #tpu.memory_space<semaphore_mem>>) src(%dma_wait3A_247 : memref<40960xf32, #tpu.memory_space<hbm>>) dst(%arg10 : memref<40960xf32, #tpu.memory_space<vmem>>)
    %add3A_248 = arith.constant 2880 : i32
    %add3A_249 = arith.addi %mul3A_2, %add3A_248 : i32
    %min3A_250 = arith.constant 99680 : i32
    %min3A_251 = arith.minsi %add3A_249, %min3A_250 : i32
    %sub3A_252 = arith.constant 100000 : i32
    %sub3A_253 = arith.subi %sub3A_252, %min3A_251 : i32
    %jit3A_254 = arith.constant 0 : i32
    %jit3A_255 = arith.constant 320 : i32
    %max3A_256 = arith.maxsi %jit3A_254, %sub3A_253 : i32
    %min3A_257 = arith.minsi %jit3A_255, %max3A_256 : i32
    %sub3A_258 = arith.subi %add3A_249, %min3A_251 : i32
    %min3A_259 = arith.minsi %sub3A_258, %min3A_257 : i32
    %sub3A_260 = arith.subi %min3A_251, %multiple_of3A : i32
    %mul3A_261 = arith.constant 64 : i32
    %mul3A_262 = arith.muli %add3A, %mul3A_261 : i32
    %mul3A_263 = arith.constant 128 : i32
    %mul3A_264 = arith.muli %mul3A_262, %mul3A_263 : i32
    "tpu.region"() ({
      %run_scoped3A = tpu.sem_alloc : memref<!tpu.dma_semaphore, #tpu.memory_space<semaphore_mem>>
      %dma_start3A_281 = arith.constant 0 : i32
      %dma_start3A_282 = tpu.memref_slice %arg12[%dma_start3A_281] : memref<8320xf32, #tpu.memory_space<vmem>> -> memref<8192xf32, #tpu.memory_space<vmem>>
      %dma_start3A_283 = tpu.memref_slice %arg4[%mul3A_264] : memref<262144xf32, #tpu.memory_space<hbm>> -> memref<8192xf32, #tpu.memory_space<hbm>>
      %dma_start3A_284 = tpu.memref_slice %arg4[%mul3A_264] : memref<262144xf32, #tpu.memory_space<hbm>> -> memref<8192xf32, #tpu.memory_space<hbm>>
      %dma_start3A_285 = arith.constant 0 : i32
      %dma_start3A_286 = tpu.memref_slice %arg12[%dma_start3A_285] : memref<8320xf32, #tpu.memory_space<vmem>> -> memref<8192xf32, #tpu.memory_space<vmem>>
      tpu.enqueue_dma source(%dma_start3A_286 : memref<8192xf32, #tpu.memory_space<vmem>>) target(%dma_start3A_284 : memref<8192xf32, #tpu.memory_space<hbm>>) target_semaphore(%run_scoped3A : memref<!tpu.dma_semaphore, #tpu.memory_space<semaphore_mem>>)
      %dma_wait3A_287 = arith.constant 0 : i32
      %dma_wait3A_288 = tpu.memref_slice %arg12[%dma_wait3A_287] : memref<8320xf32, #tpu.memory_space<vmem>> -> memref<8192xf32, #tpu.memory_space<vmem>>
      %dma_wait3A_289 = tpu.memref_slice %arg4[%mul3A_264] : memref<262144xf32, #tpu.memory_space<hbm>> -> memref<8192xf32, #tpu.memory_space<hbm>>
      %dma_wait3A_290 = tpu.memref_slice %arg4[%mul3A_264] : memref<262144xf32, #tpu.memory_space<hbm>> -> memref<8192xf32, #tpu.memory_space<hbm>>
      %dma_wait3A_291 = arith.constant 0 : i32
      %dma_wait3A_292 = tpu.memref_slice %arg12[%dma_wait3A_291] : memref<8320xf32, #tpu.memory_space<vmem>> -> memref<8192xf32, #tpu.memory_space<vmem>>
      tpu.wait_dma2 semaphore(%run_scoped3A : memref<!tpu.dma_semaphore, #tpu.memory_space<semaphore_mem>>) src(%dma_wait3A_292 : memref<8192xf32, #tpu.memory_space<vmem>>) dst(%dma_wait3A_290 : memref<8192xf32, #tpu.memory_space<hbm>>)
      tpu.yield
    }) : () -> ()
    %mul3A_265 = arith.constant 64 : i32
    %mul3A_266 = arith.muli %add3A, %mul3A_265 : i32
    %mul3A_267 = arith.constant 128 : i32
    %mul3A_268 = arith.muli %mul3A_266, %mul3A_267 : i32
    "tpu.region"() ({
      %run_scoped3A = tpu.sem_alloc : memref<!tpu.dma_semaphore, #tpu.memory_space<semaphore_mem>>
      %dma_start3A_281 = arith.constant 0 : i32
      %dma_start3A_282 = tpu.memref_slice %arg13[%dma_start3A_281] : memref<8320xf32, #tpu.memory_space<vmem>> -> memref<8192xf32, #tpu.memory_space<vmem>>
      %dma_start3A_283 = tpu.memref_slice %arg5[%mul3A_268] : memref<262144xf32, #tpu.memory_space<hbm>> -> memref<8192xf32, #tpu.memory_space<hbm>>
      %dma_start3A_284 = tpu.memref_slice %arg5[%mul3A_268] : memref<262144xf32, #tpu.memory_space<hbm>> -> memref<8192xf32, #tpu.memory_space<hbm>>
      %dma_start3A_285 = arith.constant 0 : i32
      %dma_start3A_286 = tpu.memref_slice %arg13[%dma_start3A_285] : memref<8320xf32, #tpu.memory_space<vmem>> -> memref<8192xf32, #tpu.memory_space<vmem>>
      tpu.enqueue_dma source(%dma_start3A_286 : memref<8192xf32, #tpu.memory_space<vmem>>) target(%dma_start3A_284 : memref<8192xf32, #tpu.memory_space<hbm>>) target_semaphore(%run_scoped3A : memref<!tpu.dma_semaphore, #tpu.memory_space<semaphore_mem>>)
      %dma_wait3A_287 = arith.constant 0 : i32
      %dma_wait3A_288 = tpu.memref_slice %arg13[%dma_wait3A_287] : memref<8320xf32, #tpu.memory_space<vmem>> -> memref<8192xf32, #tpu.memory_space<vmem>>
      %dma_wait3A_289 = tpu.memref_slice %arg5[%mul3A_268] : memref<262144xf32, #tpu.memory_space<hbm>> -> memref<8192xf32, #tpu.memory_space<hbm>>
      %dma_wait3A_290 = tpu.memref_slice %arg5[%mul3A_268] : memref<262144xf32, #tpu.memory_space<hbm>> -> memref<8192xf32, #tpu.memory_space<hbm>>
      %dma_wait3A_291 = arith.constant 0 : i32
      %dma_wait3A_292 = tpu.memref_slice %arg13[%dma_wait3A_291] : memref<8320xf32, #tpu.memory_space<vmem>> -> memref<8192xf32, #tpu.memory_space<vmem>>
      tpu.wait_dma2 semaphore(%run_scoped3A : memref<!tpu.dma_semaphore, #tpu.memory_space<semaphore_mem>>) src(%dma_wait3A_292 : memref<8192xf32, #tpu.memory_space<vmem>>) dst(%dma_wait3A_290 : memref<8192xf32, #tpu.memory_space<hbm>>)
      tpu.yield
    }) : () -> ()
    %mul3A_269 = arith.constant 64 : i32
    %mul3A_270 = arith.muli %add3A, %mul3A_269 : i32
    %mul3A_271 = arith.constant 128 : i32
    %mul3A_272 = arith.muli %mul3A_270, %mul3A_271 : i32
    "tpu.region"() ({
      %run_scoped3A = tpu.sem_alloc : memref<!tpu.dma_semaphore, #tpu.memory_space<semaphore_mem>>
      %dma_start3A_281 = arith.constant 0 : i32
      %dma_start3A_282 = tpu.memref_slice %arg14[%dma_start3A_281] : memref<8320xf32, #tpu.memory_space<vmem>> -> memref<8192xf32, #tpu.memory_space<vmem>>
      %dma_start3A_283 = tpu.memref_slice %arg6[%mul3A_272] : memref<262144xf32, #tpu.memory_space<hbm>> -> memref<8192xf32, #tpu.memory_space<hbm>>
      %dma_start3A_284 = tpu.memref_slice %arg6[%mul3A_272] : memref<262144xf32, #tpu.memory_space<hbm>> -> memref<8192xf32, #tpu.memory_space<hbm>>
      %dma_start3A_285 = arith.constant 0 : i32
      %dma_start3A_286 = tpu.memref_slice %arg14[%dma_start3A_285] : memref<8320xf32, #tpu.memory_space<vmem>> -> memref<8192xf32, #tpu.memory_space<vmem>>
      tpu.enqueue_dma source(%dma_start3A_286 : memref<8192xf32, #tpu.memory_space<vmem>>) target(%dma_start3A_284 : memref<8192xf32, #tpu.memory_space<hbm>>) target_semaphore(%run_scoped3A : memref<!tpu.dma_semaphore, #tpu.memory_space<semaphore_mem>>)
      %dma_wait3A_287 = arith.constant 0 : i32
      %dma_wait3A_288 = tpu.memref_slice %arg14[%dma_wait3A_287] : memref<8320xf32, #tpu.memory_space<vmem>> -> memref<8192xf32, #tpu.memory_space<vmem>>
      %dma_wait3A_289 = tpu.memref_slice %arg6[%mul3A_272] : memref<262144xf32, #tpu.memory_space<hbm>> -> memref<8192xf32, #tpu.memory_space<hbm>>
      %dma_wait3A_290 = tpu.memref_slice %arg6[%mul3A_272] : memref<262144xf32, #tpu.memory_space<hbm>> -> memref<8192xf32, #tpu.memory_space<hbm>>
      %dma_wait3A_291 = arith.constant 0 : i32
      %dma_wait3A_292 = tpu.memref_slice %arg14[%dma_wait3A_291] : memref<8320xf32, #tpu.memory_space<vmem>> -> memref<8192xf32, #tpu.memory_space<vmem>>
      tpu.wait_dma2 semaphore(%run_scoped3A : memref<!tpu.dma_semaphore, #tpu.memory_space<semaphore_mem>>) src(%dma_wait3A_292 : memref<8192xf32, #tpu.memory_space<vmem>>) dst(%dma_wait3A_290 : memref<8192xf32, #tpu.memory_space<hbm>>)
      tpu.yield
    }) : () -> ()
    %mul3A_273 = arith.constant 64 : i32
    %mul3A_274 = arith.muli %add3A, %mul3A_273 : i32
    %mul3A_275 = arith.constant 128 : i32
    %mul3A_276 = arith.muli %mul3A_274, %mul3A_275 : i32
    "tpu.region"() ({
      %run_scoped3A = tpu.sem_alloc : memref<!tpu.dma_semaphore, #tpu.memory_space<semaphore_mem>>
      %dma_start3A_281 = arith.constant 0 : i32
      %dma_start3A_282 = tpu.memref_slice %arg15[%dma_start3A_281] : memref<8320xf32, #tpu.memory_space<vmem>> -> memref<8192xf32, #tpu.memory_space<vmem>>
      %dma_start3A_283 = tpu.memref_slice %arg7[%mul3A_276] : memref<262144xf32, #tpu.memory_space<hbm>> -> memref<8192xf32, #tpu.memory_space<hbm>>
      %dma_start3A_284 = tpu.memref_slice %arg7[%mul3A_276] : memref<262144xf32, #tpu.memory_space<hbm>> -> memref<8192xf32, #tpu.memory_space<hbm>>
      %dma_start3A_285 = arith.constant 0 : i32
      %dma_start3A_286 = tpu.memref_slice %arg15[%dma_start3A_285] : memref<8320xf32, #tpu.memory_space<vmem>> -> memref<8192xf32, #tpu.memory_space<vmem>>
      tpu.enqueue_dma source(%dma_start3A_286 : memref<8192xf32, #tpu.memory_space<vmem>>) target(%dma_start3A_284 : memref<8192xf32, #tpu.memory_space<hbm>>) target_semaphore(%run_scoped3A : memref<!tpu.dma_semaphore, #tpu.memory_space<semaphore_mem>>)
      %dma_wait3A_287 = arith.constant 0 : i32
      %dma_wait3A_288 = tpu.memref_slice %arg15[%dma_wait3A_287] : memref<8320xf32, #tpu.memory_space<vmem>> -> memref<8192xf32, #tpu.memory_space<vmem>>
      %dma_wait3A_289 = tpu.memref_slice %arg7[%mul3A_276] : memref<262144xf32, #tpu.memory_space<hbm>> -> memref<8192xf32, #tpu.memory_space<hbm>>
      %dma_wait3A_290 = tpu.memref_slice %arg7[%mul3A_276] : memref<262144xf32, #tpu.memory_space<hbm>> -> memref<8192xf32, #tpu.memory_space<hbm>>
      %dma_wait3A_291 = arith.constant 0 : i32
      %dma_wait3A_292 = tpu.memref_slice %arg15[%dma_wait3A_291] : memref<8320xf32, #tpu.memory_space<vmem>> -> memref<8192xf32, #tpu.memory_space<vmem>>
      tpu.wait_dma2 semaphore(%run_scoped3A : memref<!tpu.dma_semaphore, #tpu.memory_space<semaphore_mem>>) src(%dma_wait3A_292 : memref<8192xf32, #tpu.memory_space<vmem>>) dst(%dma_wait3A_290 : memref<8192xf32, #tpu.memory_space<hbm>>)
      tpu.yield
    }) : () -> ()
    %mul3A_277 = arith.constant 64 : i32
    %mul3A_278 = arith.muli %add3A, %mul3A_277 : i32
    %mul3A_279 = arith.constant 16 : i32
    %mul3A_280 = arith.muli %mul3A_278, %mul3A_279 : i32
    "tpu.region"() ({
      %run_scoped3A = tpu.sem_alloc : memref<!tpu.dma_semaphore, #tpu.memory_space<semaphore_mem>>
      %dma_start3A_281 = arith.constant 0 : i32
      %dma_start3A_282 = tpu.memref_slice %arg16[%dma_start3A_281] : memref<1040xf32, #tpu.memory_space<vmem>> -> memref<1024xf32, #tpu.memory_space<vmem>>
      %dma_start3A_283 = tpu.memref_slice %arg8[%mul3A_280] : memref<32768xf32, #tpu.memory_space<hbm>> -> memref<1024xf32, #tpu.memory_space<hbm>>
      %dma_start3A_284 = tpu.memref_slice %arg8[%mul3A_280] : memref<32768xf32, #tpu.memory_space<hbm>> -> memref<1024xf32, #tpu.memory_space<hbm>>
      %dma_start3A_285 = arith.constant 0 : i32
      %dma_start3A_286 = tpu.memref_slice %arg16[%dma_start3A_285] : memref<1040xf32, #tpu.memory_space<vmem>> -> memref<1024xf32, #tpu.memory_space<vmem>>
      tpu.enqueue_dma source(%dma_start3A_286 : memref<1024xf32, #tpu.memory_space<vmem>>) target(%dma_start3A_284 : memref<1024xf32, #tpu.memory_space<hbm>>) target_semaphore(%run_scoped3A : memref<!tpu.dma_semaphore, #tpu.memory_space<semaphore_mem>>)
      %dma_wait3A_287 = arith.constant 0 : i32
      %dma_wait3A_288 = tpu.memref_slice %arg16[%dma_wait3A_287] : memref<1040xf32, #tpu.memory_space<vmem>> -> memref<1024xf32, #tpu.memory_space<vmem>>
      %dma_wait3A_289 = tpu.memref_slice %arg8[%mul3A_280] : memref<32768xf32, #tpu.memory_space<hbm>> -> memref<1024xf32, #tpu.memory_space<hbm>>
      %dma_wait3A_290 = tpu.memref_slice %arg8[%mul3A_280] : memref<32768xf32, #tpu.memory_space<hbm>> -> memref<1024xf32, #tpu.memory_space<hbm>>
      %dma_wait3A_291 = arith.constant 0 : i32
      %dma_wait3A_292 = tpu.memref_slice %arg16[%dma_wait3A_291] : memref<1040xf32, #tpu.memory_space<vmem>> -> memref<1024xf32, #tpu.memory_space<vmem>>
      tpu.wait_dma2 semaphore(%run_scoped3A : memref<!tpu.dma_semaphore, #tpu.memory_space<semaphore_mem>>) src(%dma_wait3A_292 : memref<1024xf32, #tpu.memory_space<vmem>>) dst(%dma_wait3A_290 : memref<1024xf32, #tpu.memory_space<hbm>>)
      tpu.yield
    }) : () -> ()
    return
  }
}

module attributes {stable_mosaic.version = 14 : i64} {
  func.func @_mlp_body(%arg0: memref<32x64x128xf32, #tpu.memory_space<vmem>>, %arg1: memref<32x64x128xf32, #tpu.memory_space<vmem>>, %arg2: memref<32x64x128xf32, #tpu.memory_space<vmem>>, %arg3: memref<32x64x128xf32, #tpu.memory_space<vmem>>, %arg4: memref<32x64x16xf32, #tpu.memory_space<vmem>>, %arg5: memref<512x256xf32, #tpu.memory_space<vmem>>, %arg6: memref<1x256xf32, #tpu.memory_space<vmem>>, %arg7: memref<256x256xf32, #tpu.memory_space<vmem>>, %arg8: memref<1x256xf32, #tpu.memory_space<vmem>>, %arg9: memref<64x256xf32, #tpu.memory_space<vmem>>) attributes {dimension_semantics = [], scalar_prefetch = 0 : i64, scratch_operands = 0 : i64, tpu.core_type = #tpu.core_type<tc>} {
    %get3A = arith.constant 0 : index
    %get3A_0 = arith.constant 0 : index
    %get3A_1 = arith.constant 0 : index
    %get3A_2 = vector.load %arg0[%get3A, %get3A_0, %get3A_1] : memref<32x64x128xf32, #tpu.memory_space<vmem>>, vector<1x64x128xf32>
    %get3A_3 = vector.shape_cast %get3A_2 : vector<1x64x128xf32> to vector<64x128xf32>
    %get3A_4 = arith.constant 0 : index
    %get3A_5 = arith.constant 0 : index
    %get3A_6 = arith.constant 0 : index
    %get3A_7 = vector.load %arg1[%get3A_4, %get3A_5, %get3A_6] : memref<32x64x128xf32, #tpu.memory_space<vmem>>, vector<1x64x128xf32>
    %get3A_8 = vector.shape_cast %get3A_7 : vector<1x64x128xf32> to vector<64x128xf32>
    %get3A_9 = arith.constant 0 : index
    %get3A_10 = arith.constant 0 : index
    %get3A_11 = arith.constant 0 : index
    %get3A_12 = vector.load %arg2[%get3A_9, %get3A_10, %get3A_11] : memref<32x64x128xf32, #tpu.memory_space<vmem>>, vector<1x64x128xf32>
    %get3A_13 = vector.shape_cast %get3A_12 : vector<1x64x128xf32> to vector<64x128xf32>
    %get3A_14 = arith.constant 0 : index
    %get3A_15 = arith.constant 0 : index
    %get3A_16 = arith.constant 0 : index
    %get3A_17 = vector.load %arg3[%get3A_14, %get3A_15, %get3A_16] : memref<32x64x128xf32, #tpu.memory_space<vmem>>, vector<1x64x128xf32>
    %get3A_18 = vector.shape_cast %get3A_17 : vector<1x64x128xf32> to vector<64x128xf32>
    %get3A_19 = arith.constant 0 : index
    %get3A_20 = arith.constant 0 : index
    %get3A_21 = arith.constant 0 : index
    %get3A_22 = vector.load %arg4[%get3A_19, %get3A_20, %get3A_21] : memref<32x64x16xf32, #tpu.memory_space<vmem>>, vector<1x64x16xf32>
    %get3A_23 = vector.shape_cast %get3A_22 : vector<1x64x16xf32> to vector<64x16xf32>
    %get3A_24 = arith.constant 1 : index
    %get3A_25 = arith.constant 0 : index
    %get3A_26 = arith.constant 0 : index
    %get3A_27 = vector.load %arg0[%get3A_24, %get3A_25, %get3A_26] : memref<32x64x128xf32, #tpu.memory_space<vmem>>, vector<1x64x128xf32>
    %get3A_28 = vector.shape_cast %get3A_27 : vector<1x64x128xf32> to vector<64x128xf32>
    %add3A = arith.addf %get3A_3, %get3A_28 : vector<64x128xf32>
    %get3A_29 = arith.constant 1 : index
    %get3A_30 = arith.constant 0 : index
    %get3A_31 = arith.constant 0 : index
    %get3A_32 = vector.load %arg1[%get3A_29, %get3A_30, %get3A_31] : memref<32x64x128xf32, #tpu.memory_space<vmem>>, vector<1x64x128xf32>
    %get3A_33 = vector.shape_cast %get3A_32 : vector<1x64x128xf32> to vector<64x128xf32>
    %min3A = arith.minimumf %get3A_8, %get3A_33 : vector<64x128xf32>
    %get3A_34 = arith.constant 1 : index
    %get3A_35 = arith.constant 0 : index
    %get3A_36 = arith.constant 0 : index
    %get3A_37 = vector.load %arg2[%get3A_34, %get3A_35, %get3A_36] : memref<32x64x128xf32, #tpu.memory_space<vmem>>, vector<1x64x128xf32>
    %get3A_38 = vector.shape_cast %get3A_37 : vector<1x64x128xf32> to vector<64x128xf32>
    %max3A = arith.maximumf %get3A_13, %get3A_38 : vector<64x128xf32>
    %get3A_39 = arith.constant 1 : index
    %get3A_40 = arith.constant 0 : index
    %get3A_41 = arith.constant 0 : index
    %get3A_42 = vector.load %arg3[%get3A_39, %get3A_40, %get3A_41] : memref<32x64x128xf32, #tpu.memory_space<vmem>>, vector<1x64x128xf32>
    %get3A_43 = vector.shape_cast %get3A_42 : vector<1x64x128xf32> to vector<64x128xf32>
    %add3A_44 = arith.addf %get3A_18, %get3A_43 : vector<64x128xf32>
    %get3A_45 = arith.constant 1 : index
    %get3A_46 = arith.constant 0 : index
    %get3A_47 = arith.constant 0 : index
    %get3A_48 = vector.load %arg4[%get3A_45, %get3A_46, %get3A_47] : memref<32x64x16xf32, #tpu.memory_space<vmem>>, vector<1x64x16xf32>
    %get3A_49 = vector.shape_cast %get3A_48 : vector<1x64x16xf32> to vector<64x16xf32>
    %add3A_50 = arith.addf %get3A_23, %get3A_49 : vector<64x16xf32>
    %get3A_51 = arith.constant 2 : index
    %get3A_52 = arith.constant 0 : index
    %get3A_53 = arith.constant 0 : index
    %get3A_54 = vector.load %arg0[%get3A_51, %get3A_52, %get3A_53] : memref<32x64x128xf32, #tpu.memory_space<vmem>>, vector<1x64x128xf32>
    %get3A_55 = vector.shape_cast %get3A_54 : vector<1x64x128xf32> to vector<64x128xf32>
    %add3A_56 = arith.addf %add3A, %get3A_55 : vector<64x128xf32>
    %get3A_57 = arith.constant 2 : index
    %get3A_58 = arith.constant 0 : index
    %get3A_59 = arith.constant 0 : index
    %get3A_60 = vector.load %arg1[%get3A_57, %get3A_58, %get3A_59] : memref<32x64x128xf32, #tpu.memory_space<vmem>>, vector<1x64x128xf32>
    %get3A_61 = vector.shape_cast %get3A_60 : vector<1x64x128xf32> to vector<64x128xf32>
    %min3A_62 = arith.minimumf %min3A, %get3A_61 : vector<64x128xf32>
    %get3A_63 = arith.constant 2 : index
    %get3A_64 = arith.constant 0 : index
    %get3A_65 = arith.constant 0 : index
    %get3A_66 = vector.load %arg2[%get3A_63, %get3A_64, %get3A_65] : memref<32x64x128xf32, #tpu.memory_space<vmem>>, vector<1x64x128xf32>
    %get3A_67 = vector.shape_cast %get3A_66 : vector<1x64x128xf32> to vector<64x128xf32>
    %max3A_68 = arith.maximumf %max3A, %get3A_67 : vector<64x128xf32>
    %get3A_69 = arith.constant 2 : index
    %get3A_70 = arith.constant 0 : index
    %get3A_71 = arith.constant 0 : index
    %get3A_72 = vector.load %arg3[%get3A_69, %get3A_70, %get3A_71] : memref<32x64x128xf32, #tpu.memory_space<vmem>>, vector<1x64x128xf32>
    %get3A_73 = vector.shape_cast %get3A_72 : vector<1x64x128xf32> to vector<64x128xf32>
    %add3A_74 = arith.addf %add3A_44, %get3A_73 : vector<64x128xf32>
    %get3A_75 = arith.constant 2 : index
    %get3A_76 = arith.constant 0 : index
    %get3A_77 = arith.constant 0 : index
    %get3A_78 = vector.load %arg4[%get3A_75, %get3A_76, %get3A_77] : memref<32x64x16xf32, #tpu.memory_space<vmem>>, vector<1x64x16xf32>
    %get3A_79 = vector.shape_cast %get3A_78 : vector<1x64x16xf32> to vector<64x16xf32>
    %add3A_80 = arith.addf %add3A_50, %get3A_79 : vector<64x16xf32>
    %get3A_81 = arith.constant 3 : index
    %get3A_82 = arith.constant 0 : index
    %get3A_83 = arith.constant 0 : index
    %get3A_84 = vector.load %arg0[%get3A_81, %get3A_82, %get3A_83] : memref<32x64x128xf32, #tpu.memory_space<vmem>>, vector<1x64x128xf32>
    %get3A_85 = vector.shape_cast %get3A_84 : vector<1x64x128xf32> to vector<64x128xf32>
    %add3A_86 = arith.addf %add3A_56, %get3A_85 : vector<64x128xf32>
    %get3A_87 = arith.constant 3 : index
    %get3A_88 = arith.constant 0 : index
    %get3A_89 = arith.constant 0 : index
    %get3A_90 = vector.load %arg1[%get3A_87, %get3A_88, %get3A_89] : memref<32x64x128xf32, #tpu.memory_space<vmem>>, vector<1x64x128xf32>
    %get3A_91 = vector.shape_cast %get3A_90 : vector<1x64x128xf32> to vector<64x128xf32>
    %min3A_92 = arith.minimumf %min3A_62, %get3A_91 : vector<64x128xf32>
    %get3A_93 = arith.constant 3 : index
    %get3A_94 = arith.constant 0 : index
    %get3A_95 = arith.constant 0 : index
    %get3A_96 = vector.load %arg2[%get3A_93, %get3A_94, %get3A_95] : memref<32x64x128xf32, #tpu.memory_space<vmem>>, vector<1x64x128xf32>
    %get3A_97 = vector.shape_cast %get3A_96 : vector<1x64x128xf32> to vector<64x128xf32>
    %max3A_98 = arith.maximumf %max3A_68, %get3A_97 : vector<64x128xf32>
    %get3A_99 = arith.constant 3 : index
    %get3A_100 = arith.constant 0 : index
    %get3A_101 = arith.constant 0 : index
    %get3A_102 = vector.load %arg3[%get3A_99, %get3A_100, %get3A_101] : memref<32x64x128xf32, #tpu.memory_space<vmem>>, vector<1x64x128xf32>
    %get3A_103 = vector.shape_cast %get3A_102 : vector<1x64x128xf32> to vector<64x128xf32>
    %add3A_104 = arith.addf %add3A_74, %get3A_103 : vector<64x128xf32>
    %get3A_105 = arith.constant 3 : index
    %get3A_106 = arith.constant 0 : index
    %get3A_107 = arith.constant 0 : index
    %get3A_108 = vector.load %arg4[%get3A_105, %get3A_106, %get3A_107] : memref<32x64x16xf32, #tpu.memory_space<vmem>>, vector<1x64x16xf32>
    %get3A_109 = vector.shape_cast %get3A_108 : vector<1x64x16xf32> to vector<64x16xf32>
    %add3A_110 = arith.addf %add3A_80, %get3A_109 : vector<64x16xf32>
    %get3A_111 = arith.constant 4 : index
    %get3A_112 = arith.constant 0 : index
    %get3A_113 = arith.constant 0 : index
    %get3A_114 = vector.load %arg0[%get3A_111, %get3A_112, %get3A_113] : memref<32x64x128xf32, #tpu.memory_space<vmem>>, vector<1x64x128xf32>
    %get3A_115 = vector.shape_cast %get3A_114 : vector<1x64x128xf32> to vector<64x128xf32>
    %add3A_116 = arith.addf %add3A_86, %get3A_115 : vector<64x128xf32>
    %get3A_117 = arith.constant 4 : index
    %get3A_118 = arith.constant 0 : index
    %get3A_119 = arith.constant 0 : index
    %get3A_120 = vector.load %arg1[%get3A_117, %get3A_118, %get3A_119] : memref<32x64x128xf32, #tpu.memory_space<vmem>>, vector<1x64x128xf32>
    %get3A_121 = vector.shape_cast %get3A_120 : vector<1x64x128xf32> to vector<64x128xf32>
    %min3A_122 = arith.minimumf %min3A_92, %get3A_121 : vector<64x128xf32>
    %get3A_123 = arith.constant 4 : index
    %get3A_124 = arith.constant 0 : index
    %get3A_125 = arith.constant 0 : index
    %get3A_126 = vector.load %arg2[%get3A_123, %get3A_124, %get3A_125] : memref<32x64x128xf32, #tpu.memory_space<vmem>>, vector<1x64x128xf32>
    %get3A_127 = vector.shape_cast %get3A_126 : vector<1x64x128xf32> to vector<64x128xf32>
    %max3A_128 = arith.maximumf %max3A_98, %get3A_127 : vector<64x128xf32>
    %get3A_129 = arith.constant 4 : index
    %get3A_130 = arith.constant 0 : index
    %get3A_131 = arith.constant 0 : index
    %get3A_132 = vector.load %arg3[%get3A_129, %get3A_130, %get3A_131] : memref<32x64x128xf32, #tpu.memory_space<vmem>>, vector<1x64x128xf32>
    %get3A_133 = vector.shape_cast %get3A_132 : vector<1x64x128xf32> to vector<64x128xf32>
    %add3A_134 = arith.addf %add3A_104, %get3A_133 : vector<64x128xf32>
    %get3A_135 = arith.constant 4 : index
    %get3A_136 = arith.constant 0 : index
    %get3A_137 = arith.constant 0 : index
    %get3A_138 = vector.load %arg4[%get3A_135, %get3A_136, %get3A_137] : memref<32x64x16xf32, #tpu.memory_space<vmem>>, vector<1x64x16xf32>
    %get3A_139 = vector.shape_cast %get3A_138 : vector<1x64x16xf32> to vector<64x16xf32>
    %add3A_140 = arith.addf %add3A_110, %get3A_139 : vector<64x16xf32>
    %get3A_141 = arith.constant 5 : index
    %get3A_142 = arith.constant 0 : index
    %get3A_143 = arith.constant 0 : index
    %get3A_144 = vector.load %arg0[%get3A_141, %get3A_142, %get3A_143] : memref<32x64x128xf32, #tpu.memory_space<vmem>>, vector<1x64x128xf32>
    %get3A_145 = vector.shape_cast %get3A_144 : vector<1x64x128xf32> to vector<64x128xf32>
    %add3A_146 = arith.addf %add3A_116, %get3A_145 : vector<64x128xf32>
    %get3A_147 = arith.constant 5 : index
    %get3A_148 = arith.constant 0 : index
    %get3A_149 = arith.constant 0 : index
    %get3A_150 = vector.load %arg1[%get3A_147, %get3A_148, %get3A_149] : memref<32x64x128xf32, #tpu.memory_space<vmem>>, vector<1x64x128xf32>
    %get3A_151 = vector.shape_cast %get3A_150 : vector<1x64x128xf32> to vector<64x128xf32>
    %min3A_152 = arith.minimumf %min3A_122, %get3A_151 : vector<64x128xf32>
    %get3A_153 = arith.constant 5 : index
    %get3A_154 = arith.constant 0 : index
    %get3A_155 = arith.constant 0 : index
    %get3A_156 = vector.load %arg2[%get3A_153, %get3A_154, %get3A_155] : memref<32x64x128xf32, #tpu.memory_space<vmem>>, vector<1x64x128xf32>
    %get3A_157 = vector.shape_cast %get3A_156 : vector<1x64x128xf32> to vector<64x128xf32>
    %max3A_158 = arith.maximumf %max3A_128, %get3A_157 : vector<64x128xf32>
    %get3A_159 = arith.constant 5 : index
    %get3A_160 = arith.constant 0 : index
    %get3A_161 = arith.constant 0 : index
    %get3A_162 = vector.load %arg3[%get3A_159, %get3A_160, %get3A_161] : memref<32x64x128xf32, #tpu.memory_space<vmem>>, vector<1x64x128xf32>
    %get3A_163 = vector.shape_cast %get3A_162 : vector<1x64x128xf32> to vector<64x128xf32>
    %add3A_164 = arith.addf %add3A_134, %get3A_163 : vector<64x128xf32>
    %get3A_165 = arith.constant 5 : index
    %get3A_166 = arith.constant 0 : index
    %get3A_167 = arith.constant 0 : index
    %get3A_168 = vector.load %arg4[%get3A_165, %get3A_166, %get3A_167] : memref<32x64x16xf32, #tpu.memory_space<vmem>>, vector<1x64x16xf32>
    %get3A_169 = vector.shape_cast %get3A_168 : vector<1x64x16xf32> to vector<64x16xf32>
    %add3A_170 = arith.addf %add3A_140, %get3A_169 : vector<64x16xf32>
    %get3A_171 = arith.constant 6 : index
    %get3A_172 = arith.constant 0 : index
    %get3A_173 = arith.constant 0 : index
    %get3A_174 = vector.load %arg0[%get3A_171, %get3A_172, %get3A_173] : memref<32x64x128xf32, #tpu.memory_space<vmem>>, vector<1x64x128xf32>
    %get3A_175 = vector.shape_cast %get3A_174 : vector<1x64x128xf32> to vector<64x128xf32>
    %add3A_176 = arith.addf %add3A_146, %get3A_175 : vector<64x128xf32>
    %get3A_177 = arith.constant 6 : index
    %get3A_178 = arith.constant 0 : index
    %get3A_179 = arith.constant 0 : index
    %get3A_180 = vector.load %arg1[%get3A_177, %get3A_178, %get3A_179] : memref<32x64x128xf32, #tpu.memory_space<vmem>>, vector<1x64x128xf32>
    %get3A_181 = vector.shape_cast %get3A_180 : vector<1x64x128xf32> to vector<64x128xf32>
    %min3A_182 = arith.minimumf %min3A_152, %get3A_181 : vector<64x128xf32>
    %get3A_183 = arith.constant 6 : index
    %get3A_184 = arith.constant 0 : index
    %get3A_185 = arith.constant 0 : index
    %get3A_186 = vector.load %arg2[%get3A_183, %get3A_184, %get3A_185] : memref<32x64x128xf32, #tpu.memory_space<vmem>>, vector<1x64x128xf32>
    %get3A_187 = vector.shape_cast %get3A_186 : vector<1x64x128xf32> to vector<64x128xf32>
    %max3A_188 = arith.maximumf %max3A_158, %get3A_187 : vector<64x128xf32>
    %get3A_189 = arith.constant 6 : index
    %get3A_190 = arith.constant 0 : index
    %get3A_191 = arith.constant 0 : index
    %get3A_192 = vector.load %arg3[%get3A_189, %get3A_190, %get3A_191] : memref<32x64x128xf32, #tpu.memory_space<vmem>>, vector<1x64x128xf32>
    %get3A_193 = vector.shape_cast %get3A_192 : vector<1x64x128xf32> to vector<64x128xf32>
    %add3A_194 = arith.addf %add3A_164, %get3A_193 : vector<64x128xf32>
    %get3A_195 = arith.constant 6 : index
    %get3A_196 = arith.constant 0 : index
    %get3A_197 = arith.constant 0 : index
    %get3A_198 = vector.load %arg4[%get3A_195, %get3A_196, %get3A_197] : memref<32x64x16xf32, #tpu.memory_space<vmem>>, vector<1x64x16xf32>
    %get3A_199 = vector.shape_cast %get3A_198 : vector<1x64x16xf32> to vector<64x16xf32>
    %add3A_200 = arith.addf %add3A_170, %get3A_199 : vector<64x16xf32>
    %get3A_201 = arith.constant 7 : index
    %get3A_202 = arith.constant 0 : index
    %get3A_203 = arith.constant 0 : index
    %get3A_204 = vector.load %arg0[%get3A_201, %get3A_202, %get3A_203] : memref<32x64x128xf32, #tpu.memory_space<vmem>>, vector<1x64x128xf32>
    %get3A_205 = vector.shape_cast %get3A_204 : vector<1x64x128xf32> to vector<64x128xf32>
    %add3A_206 = arith.addf %add3A_176, %get3A_205 : vector<64x128xf32>
    %get3A_207 = arith.constant 7 : index
    %get3A_208 = arith.constant 0 : index
    %get3A_209 = arith.constant 0 : index
    %get3A_210 = vector.load %arg1[%get3A_207, %get3A_208, %get3A_209] : memref<32x64x128xf32, #tpu.memory_space<vmem>>, vector<1x64x128xf32>
    %get3A_211 = vector.shape_cast %get3A_210 : vector<1x64x128xf32> to vector<64x128xf32>
    %min3A_212 = arith.minimumf %min3A_182, %get3A_211 : vector<64x128xf32>
    %get3A_213 = arith.constant 7 : index
    %get3A_214 = arith.constant 0 : index
    %get3A_215 = arith.constant 0 : index
    %get3A_216 = vector.load %arg2[%get3A_213, %get3A_214, %get3A_215] : memref<32x64x128xf32, #tpu.memory_space<vmem>>, vector<1x64x128xf32>
    %get3A_217 = vector.shape_cast %get3A_216 : vector<1x64x128xf32> to vector<64x128xf32>
    %max3A_218 = arith.maximumf %max3A_188, %get3A_217 : vector<64x128xf32>
    %get3A_219 = arith.constant 7 : index
    %get3A_220 = arith.constant 0 : index
    %get3A_221 = arith.constant 0 : index
    %get3A_222 = vector.load %arg3[%get3A_219, %get3A_220, %get3A_221] : memref<32x64x128xf32, #tpu.memory_space<vmem>>, vector<1x64x128xf32>
    %get3A_223 = vector.shape_cast %get3A_222 : vector<1x64x128xf32> to vector<64x128xf32>
    %add3A_224 = arith.addf %add3A_194, %get3A_223 : vector<64x128xf32>
    %get3A_225 = arith.constant 7 : index
    %get3A_226 = arith.constant 0 : index
    %get3A_227 = arith.constant 0 : index
    %get3A_228 = vector.load %arg4[%get3A_225, %get3A_226, %get3A_227] : memref<32x64x16xf32, #tpu.memory_space<vmem>>, vector<1x64x16xf32>
    %get3A_229 = vector.shape_cast %get3A_228 : vector<1x64x16xf32> to vector<64x16xf32>
    %add3A_230 = arith.addf %add3A_200, %get3A_229 : vector<64x16xf32>
    %get3A_231 = arith.constant 8 : index
    %get3A_232 = arith.constant 0 : index
    %get3A_233 = arith.constant 0 : index
    %get3A_234 = vector.load %arg0[%get3A_231, %get3A_232, %get3A_233] : memref<32x64x128xf32, #tpu.memory_space<vmem>>, vector<1x64x128xf32>
    %get3A_235 = vector.shape_cast %get3A_234 : vector<1x64x128xf32> to vector<64x128xf32>
    %add3A_236 = arith.addf %add3A_206, %get3A_235 : vector<64x128xf32>
    %get3A_237 = arith.constant 8 : index
    %get3A_238 = arith.constant 0 : index
    %get3A_239 = arith.constant 0 : index
    %get3A_240 = vector.load %arg1[%get3A_237, %get3A_238, %get3A_239] : memref<32x64x128xf32, #tpu.memory_space<vmem>>, vector<1x64x128xf32>
    %get3A_241 = vector.shape_cast %get3A_240 : vector<1x64x128xf32> to vector<64x128xf32>
    %min3A_242 = arith.minimumf %min3A_212, %get3A_241 : vector<64x128xf32>
    %get3A_243 = arith.constant 8 : index
    %get3A_244 = arith.constant 0 : index
    %get3A_245 = arith.constant 0 : index
    %get3A_246 = vector.load %arg2[%get3A_243, %get3A_244, %get3A_245] : memref<32x64x128xf32, #tpu.memory_space<vmem>>, vector<1x64x128xf32>
    %get3A_247 = vector.shape_cast %get3A_246 : vector<1x64x128xf32> to vector<64x128xf32>
    %max3A_248 = arith.maximumf %max3A_218, %get3A_247 : vector<64x128xf32>
    %get3A_249 = arith.constant 8 : index
    %get3A_250 = arith.constant 0 : index
    %get3A_251 = arith.constant 0 : index
    %get3A_252 = vector.load %arg3[%get3A_249, %get3A_250, %get3A_251] : memref<32x64x128xf32, #tpu.memory_space<vmem>>, vector<1x64x128xf32>
    %get3A_253 = vector.shape_cast %get3A_252 : vector<1x64x128xf32> to vector<64x128xf32>
    %add3A_254 = arith.addf %add3A_224, %get3A_253 : vector<64x128xf32>
    %get3A_255 = arith.constant 8 : index
    %get3A_256 = arith.constant 0 : index
    %get3A_257 = arith.constant 0 : index
    %get3A_258 = vector.load %arg4[%get3A_255, %get3A_256, %get3A_257] : memref<32x64x16xf32, #tpu.memory_space<vmem>>, vector<1x64x16xf32>
    %get3A_259 = vector.shape_cast %get3A_258 : vector<1x64x16xf32> to vector<64x16xf32>
    %add3A_260 = arith.addf %add3A_230, %get3A_259 : vector<64x16xf32>
    %get3A_261 = arith.constant 9 : index
    %get3A_262 = arith.constant 0 : index
    %get3A_263 = arith.constant 0 : index
    %get3A_264 = vector.load %arg0[%get3A_261, %get3A_262, %get3A_263] : memref<32x64x128xf32, #tpu.memory_space<vmem>>, vector<1x64x128xf32>
    %get3A_265 = vector.shape_cast %get3A_264 : vector<1x64x128xf32> to vector<64x128xf32>
    %add3A_266 = arith.addf %add3A_236, %get3A_265 : vector<64x128xf32>
    %get3A_267 = arith.constant 9 : index
    %get3A_268 = arith.constant 0 : index
    %get3A_269 = arith.constant 0 : index
    %get3A_270 = vector.load %arg1[%get3A_267, %get3A_268, %get3A_269] : memref<32x64x128xf32, #tpu.memory_space<vmem>>, vector<1x64x128xf32>
    %get3A_271 = vector.shape_cast %get3A_270 : vector<1x64x128xf32> to vector<64x128xf32>
    %min3A_272 = arith.minimumf %min3A_242, %get3A_271 : vector<64x128xf32>
    %get3A_273 = arith.constant 9 : index
    %get3A_274 = arith.constant 0 : index
    %get3A_275 = arith.constant 0 : index
    %get3A_276 = vector.load %arg2[%get3A_273, %get3A_274, %get3A_275] : memref<32x64x128xf32, #tpu.memory_space<vmem>>, vector<1x64x128xf32>
    %get3A_277 = vector.shape_cast %get3A_276 : vector<1x64x128xf32> to vector<64x128xf32>
    %max3A_278 = arith.maximumf %max3A_248, %get3A_277 : vector<64x128xf32>
    %get3A_279 = arith.constant 9 : index
    %get3A_280 = arith.constant 0 : index
    %get3A_281 = arith.constant 0 : index
    %get3A_282 = vector.load %arg3[%get3A_279, %get3A_280, %get3A_281] : memref<32x64x128xf32, #tpu.memory_space<vmem>>, vector<1x64x128xf32>
    %get3A_283 = vector.shape_cast %get3A_282 : vector<1x64x128xf32> to vector<64x128xf32>
    %add3A_284 = arith.addf %add3A_254, %get3A_283 : vector<64x128xf32>
    %get3A_285 = arith.constant 9 : index
    %get3A_286 = arith.constant 0 : index
    %get3A_287 = arith.constant 0 : index
    %get3A_288 = vector.load %arg4[%get3A_285, %get3A_286, %get3A_287] : memref<32x64x16xf32, #tpu.memory_space<vmem>>, vector<1x64x16xf32>
    %get3A_289 = vector.shape_cast %get3A_288 : vector<1x64x16xf32> to vector<64x16xf32>
    %add3A_290 = arith.addf %add3A_260, %get3A_289 : vector<64x16xf32>
    %get3A_291 = arith.constant 10 : index
    %get3A_292 = arith.constant 0 : index
    %get3A_293 = arith.constant 0 : index
    %get3A_294 = vector.load %arg0[%get3A_291, %get3A_292, %get3A_293] : memref<32x64x128xf32, #tpu.memory_space<vmem>>, vector<1x64x128xf32>
    %get3A_295 = vector.shape_cast %get3A_294 : vector<1x64x128xf32> to vector<64x128xf32>
    %add3A_296 = arith.addf %add3A_266, %get3A_295 : vector<64x128xf32>
    %get3A_297 = arith.constant 10 : index
    %get3A_298 = arith.constant 0 : index
    %get3A_299 = arith.constant 0 : index
    %get3A_300 = vector.load %arg1[%get3A_297, %get3A_298, %get3A_299] : memref<32x64x128xf32, #tpu.memory_space<vmem>>, vector<1x64x128xf32>
    %get3A_301 = vector.shape_cast %get3A_300 : vector<1x64x128xf32> to vector<64x128xf32>
    %min3A_302 = arith.minimumf %min3A_272, %get3A_301 : vector<64x128xf32>
    %get3A_303 = arith.constant 10 : index
    %get3A_304 = arith.constant 0 : index
    %get3A_305 = arith.constant 0 : index
    %get3A_306 = vector.load %arg2[%get3A_303, %get3A_304, %get3A_305] : memref<32x64x128xf32, #tpu.memory_space<vmem>>, vector<1x64x128xf32>
    %get3A_307 = vector.shape_cast %get3A_306 : vector<1x64x128xf32> to vector<64x128xf32>
    %max3A_308 = arith.maximumf %max3A_278, %get3A_307 : vector<64x128xf32>
    %get3A_309 = arith.constant 10 : index
    %get3A_310 = arith.constant 0 : index
    %get3A_311 = arith.constant 0 : index
    %get3A_312 = vector.load %arg3[%get3A_309, %get3A_310, %get3A_311] : memref<32x64x128xf32, #tpu.memory_space<vmem>>, vector<1x64x128xf32>
    %get3A_313 = vector.shape_cast %get3A_312 : vector<1x64x128xf32> to vector<64x128xf32>
    %add3A_314 = arith.addf %add3A_284, %get3A_313 : vector<64x128xf32>
    %get3A_315 = arith.constant 10 : index
    %get3A_316 = arith.constant 0 : index
    %get3A_317 = arith.constant 0 : index
    %get3A_318 = vector.load %arg4[%get3A_315, %get3A_316, %get3A_317] : memref<32x64x16xf32, #tpu.memory_space<vmem>>, vector<1x64x16xf32>
    %get3A_319 = vector.shape_cast %get3A_318 : vector<1x64x16xf32> to vector<64x16xf32>
    %add3A_320 = arith.addf %add3A_290, %get3A_319 : vector<64x16xf32>
    %get3A_321 = arith.constant 11 : index
    %get3A_322 = arith.constant 0 : index
    %get3A_323 = arith.constant 0 : index
    %get3A_324 = vector.load %arg0[%get3A_321, %get3A_322, %get3A_323] : memref<32x64x128xf32, #tpu.memory_space<vmem>>, vector<1x64x128xf32>
    %get3A_325 = vector.shape_cast %get3A_324 : vector<1x64x128xf32> to vector<64x128xf32>
    %add3A_326 = arith.addf %add3A_296, %get3A_325 : vector<64x128xf32>
    %get3A_327 = arith.constant 11 : index
    %get3A_328 = arith.constant 0 : index
    %get3A_329 = arith.constant 0 : index
    %get3A_330 = vector.load %arg1[%get3A_327, %get3A_328, %get3A_329] : memref<32x64x128xf32, #tpu.memory_space<vmem>>, vector<1x64x128xf32>
    %get3A_331 = vector.shape_cast %get3A_330 : vector<1x64x128xf32> to vector<64x128xf32>
    %min3A_332 = arith.minimumf %min3A_302, %get3A_331 : vector<64x128xf32>
    %get3A_333 = arith.constant 11 : index
    %get3A_334 = arith.constant 0 : index
    %get3A_335 = arith.constant 0 : index
    %get3A_336 = vector.load %arg2[%get3A_333, %get3A_334, %get3A_335] : memref<32x64x128xf32, #tpu.memory_space<vmem>>, vector<1x64x128xf32>
    %get3A_337 = vector.shape_cast %get3A_336 : vector<1x64x128xf32> to vector<64x128xf32>
    %max3A_338 = arith.maximumf %max3A_308, %get3A_337 : vector<64x128xf32>
    %get3A_339 = arith.constant 11 : index
    %get3A_340 = arith.constant 0 : index
    %get3A_341 = arith.constant 0 : index
    %get3A_342 = vector.load %arg3[%get3A_339, %get3A_340, %get3A_341] : memref<32x64x128xf32, #tpu.memory_space<vmem>>, vector<1x64x128xf32>
    %get3A_343 = vector.shape_cast %get3A_342 : vector<1x64x128xf32> to vector<64x128xf32>
    %add3A_344 = arith.addf %add3A_314, %get3A_343 : vector<64x128xf32>
    %get3A_345 = arith.constant 11 : index
    %get3A_346 = arith.constant 0 : index
    %get3A_347 = arith.constant 0 : index
    %get3A_348 = vector.load %arg4[%get3A_345, %get3A_346, %get3A_347] : memref<32x64x16xf32, #tpu.memory_space<vmem>>, vector<1x64x16xf32>
    %get3A_349 = vector.shape_cast %get3A_348 : vector<1x64x16xf32> to vector<64x16xf32>
    %add3A_350 = arith.addf %add3A_320, %get3A_349 : vector<64x16xf32>
    %get3A_351 = arith.constant 12 : index
    %get3A_352 = arith.constant 0 : index
    %get3A_353 = arith.constant 0 : index
    %get3A_354 = vector.load %arg0[%get3A_351, %get3A_352, %get3A_353] : memref<32x64x128xf32, #tpu.memory_space<vmem>>, vector<1x64x128xf32>
    %get3A_355 = vector.shape_cast %get3A_354 : vector<1x64x128xf32> to vector<64x128xf32>
    %add3A_356 = arith.addf %add3A_326, %get3A_355 : vector<64x128xf32>
    %get3A_357 = arith.constant 12 : index
    %get3A_358 = arith.constant 0 : index
    %get3A_359 = arith.constant 0 : index
    %get3A_360 = vector.load %arg1[%get3A_357, %get3A_358, %get3A_359] : memref<32x64x128xf32, #tpu.memory_space<vmem>>, vector<1x64x128xf32>
    %get3A_361 = vector.shape_cast %get3A_360 : vector<1x64x128xf32> to vector<64x128xf32>
    %min3A_362 = arith.minimumf %min3A_332, %get3A_361 : vector<64x128xf32>
    %get3A_363 = arith.constant 12 : index
    %get3A_364 = arith.constant 0 : index
    %get3A_365 = arith.constant 0 : index
    %get3A_366 = vector.load %arg2[%get3A_363, %get3A_364, %get3A_365] : memref<32x64x128xf32, #tpu.memory_space<vmem>>, vector<1x64x128xf32>
    %get3A_367 = vector.shape_cast %get3A_366 : vector<1x64x128xf32> to vector<64x128xf32>
    %max3A_368 = arith.maximumf %max3A_338, %get3A_367 : vector<64x128xf32>
    %get3A_369 = arith.constant 12 : index
    %get3A_370 = arith.constant 0 : index
    %get3A_371 = arith.constant 0 : index
    %get3A_372 = vector.load %arg3[%get3A_369, %get3A_370, %get3A_371] : memref<32x64x128xf32, #tpu.memory_space<vmem>>, vector<1x64x128xf32>
    %get3A_373 = vector.shape_cast %get3A_372 : vector<1x64x128xf32> to vector<64x128xf32>
    %add3A_374 = arith.addf %add3A_344, %get3A_373 : vector<64x128xf32>
    %get3A_375 = arith.constant 12 : index
    %get3A_376 = arith.constant 0 : index
    %get3A_377 = arith.constant 0 : index
    %get3A_378 = vector.load %arg4[%get3A_375, %get3A_376, %get3A_377] : memref<32x64x16xf32, #tpu.memory_space<vmem>>, vector<1x64x16xf32>
    %get3A_379 = vector.shape_cast %get3A_378 : vector<1x64x16xf32> to vector<64x16xf32>
    %add3A_380 = arith.addf %add3A_350, %get3A_379 : vector<64x16xf32>
    %get3A_381 = arith.constant 13 : index
    %get3A_382 = arith.constant 0 : index
    %get3A_383 = arith.constant 0 : index
    %get3A_384 = vector.load %arg0[%get3A_381, %get3A_382, %get3A_383] : memref<32x64x128xf32, #tpu.memory_space<vmem>>, vector<1x64x128xf32>
    %get3A_385 = vector.shape_cast %get3A_384 : vector<1x64x128xf32> to vector<64x128xf32>
    %add3A_386 = arith.addf %add3A_356, %get3A_385 : vector<64x128xf32>
    %get3A_387 = arith.constant 13 : index
    %get3A_388 = arith.constant 0 : index
    %get3A_389 = arith.constant 0 : index
    %get3A_390 = vector.load %arg1[%get3A_387, %get3A_388, %get3A_389] : memref<32x64x128xf32, #tpu.memory_space<vmem>>, vector<1x64x128xf32>
    %get3A_391 = vector.shape_cast %get3A_390 : vector<1x64x128xf32> to vector<64x128xf32>
    %min3A_392 = arith.minimumf %min3A_362, %get3A_391 : vector<64x128xf32>
    %get3A_393 = arith.constant 13 : index
    %get3A_394 = arith.constant 0 : index
    %get3A_395 = arith.constant 0 : index
    %get3A_396 = vector.load %arg2[%get3A_393, %get3A_394, %get3A_395] : memref<32x64x128xf32, #tpu.memory_space<vmem>>, vector<1x64x128xf32>
    %get3A_397 = vector.shape_cast %get3A_396 : vector<1x64x128xf32> to vector<64x128xf32>
    %max3A_398 = arith.maximumf %max3A_368, %get3A_397 : vector<64x128xf32>
    %get3A_399 = arith.constant 13 : index
    %get3A_400 = arith.constant 0 : index
    %get3A_401 = arith.constant 0 : index
    %get3A_402 = vector.load %arg3[%get3A_399, %get3A_400, %get3A_401] : memref<32x64x128xf32, #tpu.memory_space<vmem>>, vector<1x64x128xf32>
    %get3A_403 = vector.shape_cast %get3A_402 : vector<1x64x128xf32> to vector<64x128xf32>
    %add3A_404 = arith.addf %add3A_374, %get3A_403 : vector<64x128xf32>
    %get3A_405 = arith.constant 13 : index
    %get3A_406 = arith.constant 0 : index
    %get3A_407 = arith.constant 0 : index
    %get3A_408 = vector.load %arg4[%get3A_405, %get3A_406, %get3A_407] : memref<32x64x16xf32, #tpu.memory_space<vmem>>, vector<1x64x16xf32>
    %get3A_409 = vector.shape_cast %get3A_408 : vector<1x64x16xf32> to vector<64x16xf32>
    %add3A_410 = arith.addf %add3A_380, %get3A_409 : vector<64x16xf32>
    %get3A_411 = arith.constant 14 : index
    %get3A_412 = arith.constant 0 : index
    %get3A_413 = arith.constant 0 : index
    %get3A_414 = vector.load %arg0[%get3A_411, %get3A_412, %get3A_413] : memref<32x64x128xf32, #tpu.memory_space<vmem>>, vector<1x64x128xf32>
    %get3A_415 = vector.shape_cast %get3A_414 : vector<1x64x128xf32> to vector<64x128xf32>
    %add3A_416 = arith.addf %add3A_386, %get3A_415 : vector<64x128xf32>
    %get3A_417 = arith.constant 14 : index
    %get3A_418 = arith.constant 0 : index
    %get3A_419 = arith.constant 0 : index
    %get3A_420 = vector.load %arg1[%get3A_417, %get3A_418, %get3A_419] : memref<32x64x128xf32, #tpu.memory_space<vmem>>, vector<1x64x128xf32>
    %get3A_421 = vector.shape_cast %get3A_420 : vector<1x64x128xf32> to vector<64x128xf32>
    %min3A_422 = arith.minimumf %min3A_392, %get3A_421 : vector<64x128xf32>
    %get3A_423 = arith.constant 14 : index
    %get3A_424 = arith.constant 0 : index
    %get3A_425 = arith.constant 0 : index
    %get3A_426 = vector.load %arg2[%get3A_423, %get3A_424, %get3A_425] : memref<32x64x128xf32, #tpu.memory_space<vmem>>, vector<1x64x128xf32>
    %get3A_427 = vector.shape_cast %get3A_426 : vector<1x64x128xf32> to vector<64x128xf32>
    %max3A_428 = arith.maximumf %max3A_398, %get3A_427 : vector<64x128xf32>
    %get3A_429 = arith.constant 14 : index
    %get3A_430 = arith.constant 0 : index
    %get3A_431 = arith.constant 0 : index
    %get3A_432 = vector.load %arg3[%get3A_429, %get3A_430, %get3A_431] : memref<32x64x128xf32, #tpu.memory_space<vmem>>, vector<1x64x128xf32>
    %get3A_433 = vector.shape_cast %get3A_432 : vector<1x64x128xf32> to vector<64x128xf32>
    %add3A_434 = arith.addf %add3A_404, %get3A_433 : vector<64x128xf32>
    %get3A_435 = arith.constant 14 : index
    %get3A_436 = arith.constant 0 : index
    %get3A_437 = arith.constant 0 : index
    %get3A_438 = vector.load %arg4[%get3A_435, %get3A_436, %get3A_437] : memref<32x64x16xf32, #tpu.memory_space<vmem>>, vector<1x64x16xf32>
    %get3A_439 = vector.shape_cast %get3A_438 : vector<1x64x16xf32> to vector<64x16xf32>
    %add3A_440 = arith.addf %add3A_410, %get3A_439 : vector<64x16xf32>
    %get3A_441 = arith.constant 15 : index
    %get3A_442 = arith.constant 0 : index
    %get3A_443 = arith.constant 0 : index
    %get3A_444 = vector.load %arg0[%get3A_441, %get3A_442, %get3A_443] : memref<32x64x128xf32, #tpu.memory_space<vmem>>, vector<1x64x128xf32>
    %get3A_445 = vector.shape_cast %get3A_444 : vector<1x64x128xf32> to vector<64x128xf32>
    %add3A_446 = arith.addf %add3A_416, %get3A_445 : vector<64x128xf32>
    %get3A_447 = arith.constant 15 : index
    %get3A_448 = arith.constant 0 : index
    %get3A_449 = arith.constant 0 : index
    %get3A_450 = vector.load %arg1[%get3A_447, %get3A_448, %get3A_449] : memref<32x64x128xf32, #tpu.memory_space<vmem>>, vector<1x64x128xf32>
    %get3A_451 = vector.shape_cast %get3A_450 : vector<1x64x128xf32> to vector<64x128xf32>
    %min3A_452 = arith.minimumf %min3A_422, %get3A_451 : vector<64x128xf32>
    %get3A_453 = arith.constant 15 : index
    %get3A_454 = arith.constant 0 : index
    %get3A_455 = arith.constant 0 : index
    %get3A_456 = vector.load %arg2[%get3A_453, %get3A_454, %get3A_455] : memref<32x64x128xf32, #tpu.memory_space<vmem>>, vector<1x64x128xf32>
    %get3A_457 = vector.shape_cast %get3A_456 : vector<1x64x128xf32> to vector<64x128xf32>
    %max3A_458 = arith.maximumf %max3A_428, %get3A_457 : vector<64x128xf32>
    %get3A_459 = arith.constant 15 : index
    %get3A_460 = arith.constant 0 : index
    %get3A_461 = arith.constant 0 : index
    %get3A_462 = vector.load %arg3[%get3A_459, %get3A_460, %get3A_461] : memref<32x64x128xf32, #tpu.memory_space<vmem>>, vector<1x64x128xf32>
    %get3A_463 = vector.shape_cast %get3A_462 : vector<1x64x128xf32> to vector<64x128xf32>
    %add3A_464 = arith.addf %add3A_434, %get3A_463 : vector<64x128xf32>
    %get3A_465 = arith.constant 15 : index
    %get3A_466 = arith.constant 0 : index
    %get3A_467 = arith.constant 0 : index
    %get3A_468 = vector.load %arg4[%get3A_465, %get3A_466, %get3A_467] : memref<32x64x16xf32, #tpu.memory_space<vmem>>, vector<1x64x16xf32>
    %get3A_469 = vector.shape_cast %get3A_468 : vector<1x64x16xf32> to vector<64x16xf32>
    %add3A_470 = arith.addf %add3A_440, %get3A_469 : vector<64x16xf32>
    %get3A_471 = arith.constant 16 : index
    %get3A_472 = arith.constant 0 : index
    %get3A_473 = arith.constant 0 : index
    %get3A_474 = vector.load %arg0[%get3A_471, %get3A_472, %get3A_473] : memref<32x64x128xf32, #tpu.memory_space<vmem>>, vector<1x64x128xf32>
    %get3A_475 = vector.shape_cast %get3A_474 : vector<1x64x128xf32> to vector<64x128xf32>
    %add3A_476 = arith.addf %add3A_446, %get3A_475 : vector<64x128xf32>
    %get3A_477 = arith.constant 16 : index
    %get3A_478 = arith.constant 0 : index
    %get3A_479 = arith.constant 0 : index
    %get3A_480 = vector.load %arg1[%get3A_477, %get3A_478, %get3A_479] : memref<32x64x128xf32, #tpu.memory_space<vmem>>, vector<1x64x128xf32>
    %get3A_481 = vector.shape_cast %get3A_480 : vector<1x64x128xf32> to vector<64x128xf32>
    %min3A_482 = arith.minimumf %min3A_452, %get3A_481 : vector<64x128xf32>
    %get3A_483 = arith.constant 16 : index
    %get3A_484 = arith.constant 0 : index
    %get3A_485 = arith.constant 0 : index
    %get3A_486 = vector.load %arg2[%get3A_483, %get3A_484, %get3A_485] : memref<32x64x128xf32, #tpu.memory_space<vmem>>, vector<1x64x128xf32>
    %get3A_487 = vector.shape_cast %get3A_486 : vector<1x64x128xf32> to vector<64x128xf32>
    %max3A_488 = arith.maximumf %max3A_458, %get3A_487 : vector<64x128xf32>
    %get3A_489 = arith.constant 16 : index
    %get3A_490 = arith.constant 0 : index
    %get3A_491 = arith.constant 0 : index
    %get3A_492 = vector.load %arg3[%get3A_489, %get3A_490, %get3A_491] : memref<32x64x128xf32, #tpu.memory_space<vmem>>, vector<1x64x128xf32>
    %get3A_493 = vector.shape_cast %get3A_492 : vector<1x64x128xf32> to vector<64x128xf32>
    %add3A_494 = arith.addf %add3A_464, %get3A_493 : vector<64x128xf32>
    %get3A_495 = arith.constant 16 : index
    %get3A_496 = arith.constant 0 : index
    %get3A_497 = arith.constant 0 : index
    %get3A_498 = vector.load %arg4[%get3A_495, %get3A_496, %get3A_497] : memref<32x64x16xf32, #tpu.memory_space<vmem>>, vector<1x64x16xf32>
    %get3A_499 = vector.shape_cast %get3A_498 : vector<1x64x16xf32> to vector<64x16xf32>
    %add3A_500 = arith.addf %add3A_470, %get3A_499 : vector<64x16xf32>
    %get3A_501 = arith.constant 17 : index
    %get3A_502 = arith.constant 0 : index
    %get3A_503 = arith.constant 0 : index
    %get3A_504 = vector.load %arg0[%get3A_501, %get3A_502, %get3A_503] : memref<32x64x128xf32, #tpu.memory_space<vmem>>, vector<1x64x128xf32>
    %get3A_505 = vector.shape_cast %get3A_504 : vector<1x64x128xf32> to vector<64x128xf32>
    %add3A_506 = arith.addf %add3A_476, %get3A_505 : vector<64x128xf32>
    %get3A_507 = arith.constant 17 : index
    %get3A_508 = arith.constant 0 : index
    %get3A_509 = arith.constant 0 : index
    %get3A_510 = vector.load %arg1[%get3A_507, %get3A_508, %get3A_509] : memref<32x64x128xf32, #tpu.memory_space<vmem>>, vector<1x64x128xf32>
    %get3A_511 = vector.shape_cast %get3A_510 : vector<1x64x128xf32> to vector<64x128xf32>
    %min3A_512 = arith.minimumf %min3A_482, %get3A_511 : vector<64x128xf32>
    %get3A_513 = arith.constant 17 : index
    %get3A_514 = arith.constant 0 : index
    %get3A_515 = arith.constant 0 : index
    %get3A_516 = vector.load %arg2[%get3A_513, %get3A_514, %get3A_515] : memref<32x64x128xf32, #tpu.memory_space<vmem>>, vector<1x64x128xf32>
    %get3A_517 = vector.shape_cast %get3A_516 : vector<1x64x128xf32> to vector<64x128xf32>
    %max3A_518 = arith.maximumf %max3A_488, %get3A_517 : vector<64x128xf32>
    %get3A_519 = arith.constant 17 : index
    %get3A_520 = arith.constant 0 : index
    %get3A_521 = arith.constant 0 : index
    %get3A_522 = vector.load %arg3[%get3A_519, %get3A_520, %get3A_521] : memref<32x64x128xf32, #tpu.memory_space<vmem>>, vector<1x64x128xf32>
    %get3A_523 = vector.shape_cast %get3A_522 : vector<1x64x128xf32> to vector<64x128xf32>
    %add3A_524 = arith.addf %add3A_494, %get3A_523 : vector<64x128xf32>
    %get3A_525 = arith.constant 17 : index
    %get3A_526 = arith.constant 0 : index
    %get3A_527 = arith.constant 0 : index
    %get3A_528 = vector.load %arg4[%get3A_525, %get3A_526, %get3A_527] : memref<32x64x16xf32, #tpu.memory_space<vmem>>, vector<1x64x16xf32>
    %get3A_529 = vector.shape_cast %get3A_528 : vector<1x64x16xf32> to vector<64x16xf32>
    %add3A_530 = arith.addf %add3A_500, %get3A_529 : vector<64x16xf32>
    %get3A_531 = arith.constant 18 : index
    %get3A_532 = arith.constant 0 : index
    %get3A_533 = arith.constant 0 : index
    %get3A_534 = vector.load %arg0[%get3A_531, %get3A_532, %get3A_533] : memref<32x64x128xf32, #tpu.memory_space<vmem>>, vector<1x64x128xf32>
    %get3A_535 = vector.shape_cast %get3A_534 : vector<1x64x128xf32> to vector<64x128xf32>
    %add3A_536 = arith.addf %add3A_506, %get3A_535 : vector<64x128xf32>
    %get3A_537 = arith.constant 18 : index
    %get3A_538 = arith.constant 0 : index
    %get3A_539 = arith.constant 0 : index
    %get3A_540 = vector.load %arg1[%get3A_537, %get3A_538, %get3A_539] : memref<32x64x128xf32, #tpu.memory_space<vmem>>, vector<1x64x128xf32>
    %get3A_541 = vector.shape_cast %get3A_540 : vector<1x64x128xf32> to vector<64x128xf32>
    %min3A_542 = arith.minimumf %min3A_512, %get3A_541 : vector<64x128xf32>
    %get3A_543 = arith.constant 18 : index
    %get3A_544 = arith.constant 0 : index
    %get3A_545 = arith.constant 0 : index
    %get3A_546 = vector.load %arg2[%get3A_543, %get3A_544, %get3A_545] : memref<32x64x128xf32, #tpu.memory_space<vmem>>, vector<1x64x128xf32>
    %get3A_547 = vector.shape_cast %get3A_546 : vector<1x64x128xf32> to vector<64x128xf32>
    %max3A_548 = arith.maximumf %max3A_518, %get3A_547 : vector<64x128xf32>
    %get3A_549 = arith.constant 18 : index
    %get3A_550 = arith.constant 0 : index
    %get3A_551 = arith.constant 0 : index
    %get3A_552 = vector.load %arg3[%get3A_549, %get3A_550, %get3A_551] : memref<32x64x128xf32, #tpu.memory_space<vmem>>, vector<1x64x128xf32>
    %get3A_553 = vector.shape_cast %get3A_552 : vector<1x64x128xf32> to vector<64x128xf32>
    %add3A_554 = arith.addf %add3A_524, %get3A_553 : vector<64x128xf32>
    %get3A_555 = arith.constant 18 : index
    %get3A_556 = arith.constant 0 : index
    %get3A_557 = arith.constant 0 : index
    %get3A_558 = vector.load %arg4[%get3A_555, %get3A_556, %get3A_557] : memref<32x64x16xf32, #tpu.memory_space<vmem>>, vector<1x64x16xf32>
    %get3A_559 = vector.shape_cast %get3A_558 : vector<1x64x16xf32> to vector<64x16xf32>
    %add3A_560 = arith.addf %add3A_530, %get3A_559 : vector<64x16xf32>
    %get3A_561 = arith.constant 19 : index
    %get3A_562 = arith.constant 0 : index
    %get3A_563 = arith.constant 0 : index
    %get3A_564 = vector.load %arg0[%get3A_561, %get3A_562, %get3A_563] : memref<32x64x128xf32, #tpu.memory_space<vmem>>, vector<1x64x128xf32>
    %get3A_565 = vector.shape_cast %get3A_564 : vector<1x64x128xf32> to vector<64x128xf32>
    %add3A_566 = arith.addf %add3A_536, %get3A_565 : vector<64x128xf32>
    %get3A_567 = arith.constant 19 : index
    %get3A_568 = arith.constant 0 : index
    %get3A_569 = arith.constant 0 : index
    %get3A_570 = vector.load %arg1[%get3A_567, %get3A_568, %get3A_569] : memref<32x64x128xf32, #tpu.memory_space<vmem>>, vector<1x64x128xf32>
    %get3A_571 = vector.shape_cast %get3A_570 : vector<1x64x128xf32> to vector<64x128xf32>
    %min3A_572 = arith.minimumf %min3A_542, %get3A_571 : vector<64x128xf32>
    %get3A_573 = arith.constant 19 : index
    %get3A_574 = arith.constant 0 : index
    %get3A_575 = arith.constant 0 : index
    %get3A_576 = vector.load %arg2[%get3A_573, %get3A_574, %get3A_575] : memref<32x64x128xf32, #tpu.memory_space<vmem>>, vector<1x64x128xf32>
    %get3A_577 = vector.shape_cast %get3A_576 : vector<1x64x128xf32> to vector<64x128xf32>
    %max3A_578 = arith.maximumf %max3A_548, %get3A_577 : vector<64x128xf32>
    %get3A_579 = arith.constant 19 : index
    %get3A_580 = arith.constant 0 : index
    %get3A_581 = arith.constant 0 : index
    %get3A_582 = vector.load %arg3[%get3A_579, %get3A_580, %get3A_581] : memref<32x64x128xf32, #tpu.memory_space<vmem>>, vector<1x64x128xf32>
    %get3A_583 = vector.shape_cast %get3A_582 : vector<1x64x128xf32> to vector<64x128xf32>
    %add3A_584 = arith.addf %add3A_554, %get3A_583 : vector<64x128xf32>
    %get3A_585 = arith.constant 19 : index
    %get3A_586 = arith.constant 0 : index
    %get3A_587 = arith.constant 0 : index
    %get3A_588 = vector.load %arg4[%get3A_585, %get3A_586, %get3A_587] : memref<32x64x16xf32, #tpu.memory_space<vmem>>, vector<1x64x16xf32>
    %get3A_589 = vector.shape_cast %get3A_588 : vector<1x64x16xf32> to vector<64x16xf32>
    %add3A_590 = arith.addf %add3A_560, %get3A_589 : vector<64x16xf32>
    %get3A_591 = arith.constant 20 : index
    %get3A_592 = arith.constant 0 : index
    %get3A_593 = arith.constant 0 : index
    %get3A_594 = vector.load %arg0[%get3A_591, %get3A_592, %get3A_593] : memref<32x64x128xf32, #tpu.memory_space<vmem>>, vector<1x64x128xf32>
    %get3A_595 = vector.shape_cast %get3A_594 : vector<1x64x128xf32> to vector<64x128xf32>
    %add3A_596 = arith.addf %add3A_566, %get3A_595 : vector<64x128xf32>
    %get3A_597 = arith.constant 20 : index
    %get3A_598 = arith.constant 0 : index
    %get3A_599 = arith.constant 0 : index
    %get3A_600 = vector.load %arg1[%get3A_597, %get3A_598, %get3A_599] : memref<32x64x128xf32, #tpu.memory_space<vmem>>, vector<1x64x128xf32>
    %get3A_601 = vector.shape_cast %get3A_600 : vector<1x64x128xf32> to vector<64x128xf32>
    %min3A_602 = arith.minimumf %min3A_572, %get3A_601 : vector<64x128xf32>
    %get3A_603 = arith.constant 20 : index
    %get3A_604 = arith.constant 0 : index
    %get3A_605 = arith.constant 0 : index
    %get3A_606 = vector.load %arg2[%get3A_603, %get3A_604, %get3A_605] : memref<32x64x128xf32, #tpu.memory_space<vmem>>, vector<1x64x128xf32>
    %get3A_607 = vector.shape_cast %get3A_606 : vector<1x64x128xf32> to vector<64x128xf32>
    %max3A_608 = arith.maximumf %max3A_578, %get3A_607 : vector<64x128xf32>
    %get3A_609 = arith.constant 20 : index
    %get3A_610 = arith.constant 0 : index
    %get3A_611 = arith.constant 0 : index
    %get3A_612 = vector.load %arg3[%get3A_609, %get3A_610, %get3A_611] : memref<32x64x128xf32, #tpu.memory_space<vmem>>, vector<1x64x128xf32>
    %get3A_613 = vector.shape_cast %get3A_612 : vector<1x64x128xf32> to vector<64x128xf32>
    %add3A_614 = arith.addf %add3A_584, %get3A_613 : vector<64x128xf32>
    %get3A_615 = arith.constant 20 : index
    %get3A_616 = arith.constant 0 : index
    %get3A_617 = arith.constant 0 : index
    %get3A_618 = vector.load %arg4[%get3A_615, %get3A_616, %get3A_617] : memref<32x64x16xf32, #tpu.memory_space<vmem>>, vector<1x64x16xf32>
    %get3A_619 = vector.shape_cast %get3A_618 : vector<1x64x16xf32> to vector<64x16xf32>
    %add3A_620 = arith.addf %add3A_590, %get3A_619 : vector<64x16xf32>
    %get3A_621 = arith.constant 21 : index
    %get3A_622 = arith.constant 0 : index
    %get3A_623 = arith.constant 0 : index
    %get3A_624 = vector.load %arg0[%get3A_621, %get3A_622, %get3A_623] : memref<32x64x128xf32, #tpu.memory_space<vmem>>, vector<1x64x128xf32>
    %get3A_625 = vector.shape_cast %get3A_624 : vector<1x64x128xf32> to vector<64x128xf32>
    %add3A_626 = arith.addf %add3A_596, %get3A_625 : vector<64x128xf32>
    %get3A_627 = arith.constant 21 : index
    %get3A_628 = arith.constant 0 : index
    %get3A_629 = arith.constant 0 : index
    %get3A_630 = vector.load %arg1[%get3A_627, %get3A_628, %get3A_629] : memref<32x64x128xf32, #tpu.memory_space<vmem>>, vector<1x64x128xf32>
    %get3A_631 = vector.shape_cast %get3A_630 : vector<1x64x128xf32> to vector<64x128xf32>
    %min3A_632 = arith.minimumf %min3A_602, %get3A_631 : vector<64x128xf32>
    %get3A_633 = arith.constant 21 : index
    %get3A_634 = arith.constant 0 : index
    %get3A_635 = arith.constant 0 : index
    %get3A_636 = vector.load %arg2[%get3A_633, %get3A_634, %get3A_635] : memref<32x64x128xf32, #tpu.memory_space<vmem>>, vector<1x64x128xf32>
    %get3A_637 = vector.shape_cast %get3A_636 : vector<1x64x128xf32> to vector<64x128xf32>
    %max3A_638 = arith.maximumf %max3A_608, %get3A_637 : vector<64x128xf32>
    %get3A_639 = arith.constant 21 : index
    %get3A_640 = arith.constant 0 : index
    %get3A_641 = arith.constant 0 : index
    %get3A_642 = vector.load %arg3[%get3A_639, %get3A_640, %get3A_641] : memref<32x64x128xf32, #tpu.memory_space<vmem>>, vector<1x64x128xf32>
    %get3A_643 = vector.shape_cast %get3A_642 : vector<1x64x128xf32> to vector<64x128xf32>
    %add3A_644 = arith.addf %add3A_614, %get3A_643 : vector<64x128xf32>
    %get3A_645 = arith.constant 21 : index
    %get3A_646 = arith.constant 0 : index
    %get3A_647 = arith.constant 0 : index
    %get3A_648 = vector.load %arg4[%get3A_645, %get3A_646, %get3A_647] : memref<32x64x16xf32, #tpu.memory_space<vmem>>, vector<1x64x16xf32>
    %get3A_649 = vector.shape_cast %get3A_648 : vector<1x64x16xf32> to vector<64x16xf32>
    %add3A_650 = arith.addf %add3A_620, %get3A_649 : vector<64x16xf32>
    %get3A_651 = arith.constant 22 : index
    %get3A_652 = arith.constant 0 : index
    %get3A_653 = arith.constant 0 : index
    %get3A_654 = vector.load %arg0[%get3A_651, %get3A_652, %get3A_653] : memref<32x64x128xf32, #tpu.memory_space<vmem>>, vector<1x64x128xf32>
    %get3A_655 = vector.shape_cast %get3A_654 : vector<1x64x128xf32> to vector<64x128xf32>
    %add3A_656 = arith.addf %add3A_626, %get3A_655 : vector<64x128xf32>
    %get3A_657 = arith.constant 22 : index
    %get3A_658 = arith.constant 0 : index
    %get3A_659 = arith.constant 0 : index
    %get3A_660 = vector.load %arg1[%get3A_657, %get3A_658, %get3A_659] : memref<32x64x128xf32, #tpu.memory_space<vmem>>, vector<1x64x128xf32>
    %get3A_661 = vector.shape_cast %get3A_660 : vector<1x64x128xf32> to vector<64x128xf32>
    %min3A_662 = arith.minimumf %min3A_632, %get3A_661 : vector<64x128xf32>
    %get3A_663 = arith.constant 22 : index
    %get3A_664 = arith.constant 0 : index
    %get3A_665 = arith.constant 0 : index
    %get3A_666 = vector.load %arg2[%get3A_663, %get3A_664, %get3A_665] : memref<32x64x128xf32, #tpu.memory_space<vmem>>, vector<1x64x128xf32>
    %get3A_667 = vector.shape_cast %get3A_666 : vector<1x64x128xf32> to vector<64x128xf32>
    %max3A_668 = arith.maximumf %max3A_638, %get3A_667 : vector<64x128xf32>
    %get3A_669 = arith.constant 22 : index
    %get3A_670 = arith.constant 0 : index
    %get3A_671 = arith.constant 0 : index
    %get3A_672 = vector.load %arg3[%get3A_669, %get3A_670, %get3A_671] : memref<32x64x128xf32, #tpu.memory_space<vmem>>, vector<1x64x128xf32>
    %get3A_673 = vector.shape_cast %get3A_672 : vector<1x64x128xf32> to vector<64x128xf32>
    %add3A_674 = arith.addf %add3A_644, %get3A_673 : vector<64x128xf32>
    %get3A_675 = arith.constant 22 : index
    %get3A_676 = arith.constant 0 : index
    %get3A_677 = arith.constant 0 : index
    %get3A_678 = vector.load %arg4[%get3A_675, %get3A_676, %get3A_677] : memref<32x64x16xf32, #tpu.memory_space<vmem>>, vector<1x64x16xf32>
    %get3A_679 = vector.shape_cast %get3A_678 : vector<1x64x16xf32> to vector<64x16xf32>
    %add3A_680 = arith.addf %add3A_650, %get3A_679 : vector<64x16xf32>
    %get3A_681 = arith.constant 23 : index
    %get3A_682 = arith.constant 0 : index
    %get3A_683 = arith.constant 0 : index
    %get3A_684 = vector.load %arg0[%get3A_681, %get3A_682, %get3A_683] : memref<32x64x128xf32, #tpu.memory_space<vmem>>, vector<1x64x128xf32>
    %get3A_685 = vector.shape_cast %get3A_684 : vector<1x64x128xf32> to vector<64x128xf32>
    %add3A_686 = arith.addf %add3A_656, %get3A_685 : vector<64x128xf32>
    %get3A_687 = arith.constant 23 : index
    %get3A_688 = arith.constant 0 : index
    %get3A_689 = arith.constant 0 : index
    %get3A_690 = vector.load %arg1[%get3A_687, %get3A_688, %get3A_689] : memref<32x64x128xf32, #tpu.memory_space<vmem>>, vector<1x64x128xf32>
    %get3A_691 = vector.shape_cast %get3A_690 : vector<1x64x128xf32> to vector<64x128xf32>
    %min3A_692 = arith.minimumf %min3A_662, %get3A_691 : vector<64x128xf32>
    %get3A_693 = arith.constant 23 : index
    %get3A_694 = arith.constant 0 : index
    %get3A_695 = arith.constant 0 : index
    %get3A_696 = vector.load %arg2[%get3A_693, %get3A_694, %get3A_695] : memref<32x64x128xf32, #tpu.memory_space<vmem>>, vector<1x64x128xf32>
    %get3A_697 = vector.shape_cast %get3A_696 : vector<1x64x128xf32> to vector<64x128xf32>
    %max3A_698 = arith.maximumf %max3A_668, %get3A_697 : vector<64x128xf32>
    %get3A_699 = arith.constant 23 : index
    %get3A_700 = arith.constant 0 : index
    %get3A_701 = arith.constant 0 : index
    %get3A_702 = vector.load %arg3[%get3A_699, %get3A_700, %get3A_701] : memref<32x64x128xf32, #tpu.memory_space<vmem>>, vector<1x64x128xf32>
    %get3A_703 = vector.shape_cast %get3A_702 : vector<1x64x128xf32> to vector<64x128xf32>
    %add3A_704 = arith.addf %add3A_674, %get3A_703 : vector<64x128xf32>
    %get3A_705 = arith.constant 23 : index
    %get3A_706 = arith.constant 0 : index
    %get3A_707 = arith.constant 0 : index
    %get3A_708 = vector.load %arg4[%get3A_705, %get3A_706, %get3A_707] : memref<32x64x16xf32, #tpu.memory_space<vmem>>, vector<1x64x16xf32>
    %get3A_709 = vector.shape_cast %get3A_708 : vector<1x64x16xf32> to vector<64x16xf32>
    %add3A_710 = arith.addf %add3A_680, %get3A_709 : vector<64x16xf32>
    %get3A_711 = arith.constant 24 : index
    %get3A_712 = arith.constant 0 : index
    %get3A_713 = arith.constant 0 : index
    %get3A_714 = vector.load %arg0[%get3A_711, %get3A_712, %get3A_713] : memref<32x64x128xf32, #tpu.memory_space<vmem>>, vector<1x64x128xf32>
    %get3A_715 = vector.shape_cast %get3A_714 : vector<1x64x128xf32> to vector<64x128xf32>
    %add3A_716 = arith.addf %add3A_686, %get3A_715 : vector<64x128xf32>
    %get3A_717 = arith.constant 24 : index
    %get3A_718 = arith.constant 0 : index
    %get3A_719 = arith.constant 0 : index
    %get3A_720 = vector.load %arg1[%get3A_717, %get3A_718, %get3A_719] : memref<32x64x128xf32, #tpu.memory_space<vmem>>, vector<1x64x128xf32>
    %get3A_721 = vector.shape_cast %get3A_720 : vector<1x64x128xf32> to vector<64x128xf32>
    %min3A_722 = arith.minimumf %min3A_692, %get3A_721 : vector<64x128xf32>
    %get3A_723 = arith.constant 24 : index
    %get3A_724 = arith.constant 0 : index
    %get3A_725 = arith.constant 0 : index
    %get3A_726 = vector.load %arg2[%get3A_723, %get3A_724, %get3A_725] : memref<32x64x128xf32, #tpu.memory_space<vmem>>, vector<1x64x128xf32>
    %get3A_727 = vector.shape_cast %get3A_726 : vector<1x64x128xf32> to vector<64x128xf32>
    %max3A_728 = arith.maximumf %max3A_698, %get3A_727 : vector<64x128xf32>
    %get3A_729 = arith.constant 24 : index
    %get3A_730 = arith.constant 0 : index
    %get3A_731 = arith.constant 0 : index
    %get3A_732 = vector.load %arg3[%get3A_729, %get3A_730, %get3A_731] : memref<32x64x128xf32, #tpu.memory_space<vmem>>, vector<1x64x128xf32>
    %get3A_733 = vector.shape_cast %get3A_732 : vector<1x64x128xf32> to vector<64x128xf32>
    %add3A_734 = arith.addf %add3A_704, %get3A_733 : vector<64x128xf32>
    %get3A_735 = arith.constant 24 : index
    %get3A_736 = arith.constant 0 : index
    %get3A_737 = arith.constant 0 : index
    %get3A_738 = vector.load %arg4[%get3A_735, %get3A_736, %get3A_737] : memref<32x64x16xf32, #tpu.memory_space<vmem>>, vector<1x64x16xf32>
    %get3A_739 = vector.shape_cast %get3A_738 : vector<1x64x16xf32> to vector<64x16xf32>
    %add3A_740 = arith.addf %add3A_710, %get3A_739 : vector<64x16xf32>
    %get3A_741 = arith.constant 25 : index
    %get3A_742 = arith.constant 0 : index
    %get3A_743 = arith.constant 0 : index
    %get3A_744 = vector.load %arg0[%get3A_741, %get3A_742, %get3A_743] : memref<32x64x128xf32, #tpu.memory_space<vmem>>, vector<1x64x128xf32>
    %get3A_745 = vector.shape_cast %get3A_744 : vector<1x64x128xf32> to vector<64x128xf32>
    %add3A_746 = arith.addf %add3A_716, %get3A_745 : vector<64x128xf32>
    %get3A_747 = arith.constant 25 : index
    %get3A_748 = arith.constant 0 : index
    %get3A_749 = arith.constant 0 : index
    %get3A_750 = vector.load %arg1[%get3A_747, %get3A_748, %get3A_749] : memref<32x64x128xf32, #tpu.memory_space<vmem>>, vector<1x64x128xf32>
    %get3A_751 = vector.shape_cast %get3A_750 : vector<1x64x128xf32> to vector<64x128xf32>
    %min3A_752 = arith.minimumf %min3A_722, %get3A_751 : vector<64x128xf32>
    %get3A_753 = arith.constant 25 : index
    %get3A_754 = arith.constant 0 : index
    %get3A_755 = arith.constant 0 : index
    %get3A_756 = vector.load %arg2[%get3A_753, %get3A_754, %get3A_755] : memref<32x64x128xf32, #tpu.memory_space<vmem>>, vector<1x64x128xf32>
    %get3A_757 = vector.shape_cast %get3A_756 : vector<1x64x128xf32> to vector<64x128xf32>
    %max3A_758 = arith.maximumf %max3A_728, %get3A_757 : vector<64x128xf32>
    %get3A_759 = arith.constant 25 : index
    %get3A_760 = arith.constant 0 : index
    %get3A_761 = arith.constant 0 : index
    %get3A_762 = vector.load %arg3[%get3A_759, %get3A_760, %get3A_761] : memref<32x64x128xf32, #tpu.memory_space<vmem>>, vector<1x64x128xf32>
    %get3A_763 = vector.shape_cast %get3A_762 : vector<1x64x128xf32> to vector<64x128xf32>
    %add3A_764 = arith.addf %add3A_734, %get3A_763 : vector<64x128xf32>
    %get3A_765 = arith.constant 25 : index
    %get3A_766 = arith.constant 0 : index
    %get3A_767 = arith.constant 0 : index
    %get3A_768 = vector.load %arg4[%get3A_765, %get3A_766, %get3A_767] : memref<32x64x16xf32, #tpu.memory_space<vmem>>, vector<1x64x16xf32>
    %get3A_769 = vector.shape_cast %get3A_768 : vector<1x64x16xf32> to vector<64x16xf32>
    %add3A_770 = arith.addf %add3A_740, %get3A_769 : vector<64x16xf32>
    %get3A_771 = arith.constant 26 : index
    %get3A_772 = arith.constant 0 : index
    %get3A_773 = arith.constant 0 : index
    %get3A_774 = vector.load %arg0[%get3A_771, %get3A_772, %get3A_773] : memref<32x64x128xf32, #tpu.memory_space<vmem>>, vector<1x64x128xf32>
    %get3A_775 = vector.shape_cast %get3A_774 : vector<1x64x128xf32> to vector<64x128xf32>
    %add3A_776 = arith.addf %add3A_746, %get3A_775 : vector<64x128xf32>
    %get3A_777 = arith.constant 26 : index
    %get3A_778 = arith.constant 0 : index
    %get3A_779 = arith.constant 0 : index
    %get3A_780 = vector.load %arg1[%get3A_777, %get3A_778, %get3A_779] : memref<32x64x128xf32, #tpu.memory_space<vmem>>, vector<1x64x128xf32>
    %get3A_781 = vector.shape_cast %get3A_780 : vector<1x64x128xf32> to vector<64x128xf32>
    %min3A_782 = arith.minimumf %min3A_752, %get3A_781 : vector<64x128xf32>
    %get3A_783 = arith.constant 26 : index
    %get3A_784 = arith.constant 0 : index
    %get3A_785 = arith.constant 0 : index
    %get3A_786 = vector.load %arg2[%get3A_783, %get3A_784, %get3A_785] : memref<32x64x128xf32, #tpu.memory_space<vmem>>, vector<1x64x128xf32>
    %get3A_787 = vector.shape_cast %get3A_786 : vector<1x64x128xf32> to vector<64x128xf32>
    %max3A_788 = arith.maximumf %max3A_758, %get3A_787 : vector<64x128xf32>
    %get3A_789 = arith.constant 26 : index
    %get3A_790 = arith.constant 0 : index
    %get3A_791 = arith.constant 0 : index
    %get3A_792 = vector.load %arg3[%get3A_789, %get3A_790, %get3A_791] : memref<32x64x128xf32, #tpu.memory_space<vmem>>, vector<1x64x128xf32>
    %get3A_793 = vector.shape_cast %get3A_792 : vector<1x64x128xf32> to vector<64x128xf32>
    %add3A_794 = arith.addf %add3A_764, %get3A_793 : vector<64x128xf32>
    %get3A_795 = arith.constant 26 : index
    %get3A_796 = arith.constant 0 : index
    %get3A_797 = arith.constant 0 : index
    %get3A_798 = vector.load %arg4[%get3A_795, %get3A_796, %get3A_797] : memref<32x64x16xf32, #tpu.memory_space<vmem>>, vector<1x64x16xf32>
    %get3A_799 = vector.shape_cast %get3A_798 : vector<1x64x16xf32> to vector<64x16xf32>
    %add3A_800 = arith.addf %add3A_770, %get3A_799 : vector<64x16xf32>
    %get3A_801 = arith.constant 27 : index
    %get3A_802 = arith.constant 0 : index
    %get3A_803 = arith.constant 0 : index
    %get3A_804 = vector.load %arg0[%get3A_801, %get3A_802, %get3A_803] : memref<32x64x128xf32, #tpu.memory_space<vmem>>, vector<1x64x128xf32>
    %get3A_805 = vector.shape_cast %get3A_804 : vector<1x64x128xf32> to vector<64x128xf32>
    %add3A_806 = arith.addf %add3A_776, %get3A_805 : vector<64x128xf32>
    %get3A_807 = arith.constant 27 : index
    %get3A_808 = arith.constant 0 : index
    %get3A_809 = arith.constant 0 : index
    %get3A_810 = vector.load %arg1[%get3A_807, %get3A_808, %get3A_809] : memref<32x64x128xf32, #tpu.memory_space<vmem>>, vector<1x64x128xf32>
    %get3A_811 = vector.shape_cast %get3A_810 : vector<1x64x128xf32> to vector<64x128xf32>
    %min3A_812 = arith.minimumf %min3A_782, %get3A_811 : vector<64x128xf32>
    %get3A_813 = arith.constant 27 : index
    %get3A_814 = arith.constant 0 : index
    %get3A_815 = arith.constant 0 : index
    %get3A_816 = vector.load %arg2[%get3A_813, %get3A_814, %get3A_815] : memref<32x64x128xf32, #tpu.memory_space<vmem>>, vector<1x64x128xf32>
    %get3A_817 = vector.shape_cast %get3A_816 : vector<1x64x128xf32> to vector<64x128xf32>
    %max3A_818 = arith.maximumf %max3A_788, %get3A_817 : vector<64x128xf32>
    %get3A_819 = arith.constant 27 : index
    %get3A_820 = arith.constant 0 : index
    %get3A_821 = arith.constant 0 : index
    %get3A_822 = vector.load %arg3[%get3A_819, %get3A_820, %get3A_821] : memref<32x64x128xf32, #tpu.memory_space<vmem>>, vector<1x64x128xf32>
    %get3A_823 = vector.shape_cast %get3A_822 : vector<1x64x128xf32> to vector<64x128xf32>
    %add3A_824 = arith.addf %add3A_794, %get3A_823 : vector<64x128xf32>
    %get3A_825 = arith.constant 27 : index
    %get3A_826 = arith.constant 0 : index
    %get3A_827 = arith.constant 0 : index
    %get3A_828 = vector.load %arg4[%get3A_825, %get3A_826, %get3A_827] : memref<32x64x16xf32, #tpu.memory_space<vmem>>, vector<1x64x16xf32>
    %get3A_829 = vector.shape_cast %get3A_828 : vector<1x64x16xf32> to vector<64x16xf32>
    %add3A_830 = arith.addf %add3A_800, %get3A_829 : vector<64x16xf32>
    %get3A_831 = arith.constant 28 : index
    %get3A_832 = arith.constant 0 : index
    %get3A_833 = arith.constant 0 : index
    %get3A_834 = vector.load %arg0[%get3A_831, %get3A_832, %get3A_833] : memref<32x64x128xf32, #tpu.memory_space<vmem>>, vector<1x64x128xf32>
    %get3A_835 = vector.shape_cast %get3A_834 : vector<1x64x128xf32> to vector<64x128xf32>
    %add3A_836 = arith.addf %add3A_806, %get3A_835 : vector<64x128xf32>
    %get3A_837 = arith.constant 28 : index
    %get3A_838 = arith.constant 0 : index
    %get3A_839 = arith.constant 0 : index
    %get3A_840 = vector.load %arg1[%get3A_837, %get3A_838, %get3A_839] : memref<32x64x128xf32, #tpu.memory_space<vmem>>, vector<1x64x128xf32>
    %get3A_841 = vector.shape_cast %get3A_840 : vector<1x64x128xf32> to vector<64x128xf32>
    %min3A_842 = arith.minimumf %min3A_812, %get3A_841 : vector<64x128xf32>
    %get3A_843 = arith.constant 28 : index
    %get3A_844 = arith.constant 0 : index
    %get3A_845 = arith.constant 0 : index
    %get3A_846 = vector.load %arg2[%get3A_843, %get3A_844, %get3A_845] : memref<32x64x128xf32, #tpu.memory_space<vmem>>, vector<1x64x128xf32>
    %get3A_847 = vector.shape_cast %get3A_846 : vector<1x64x128xf32> to vector<64x128xf32>
    %max3A_848 = arith.maximumf %max3A_818, %get3A_847 : vector<64x128xf32>
    %get3A_849 = arith.constant 28 : index
    %get3A_850 = arith.constant 0 : index
    %get3A_851 = arith.constant 0 : index
    %get3A_852 = vector.load %arg3[%get3A_849, %get3A_850, %get3A_851] : memref<32x64x128xf32, #tpu.memory_space<vmem>>, vector<1x64x128xf32>
    %get3A_853 = vector.shape_cast %get3A_852 : vector<1x64x128xf32> to vector<64x128xf32>
    %add3A_854 = arith.addf %add3A_824, %get3A_853 : vector<64x128xf32>
    %get3A_855 = arith.constant 28 : index
    %get3A_856 = arith.constant 0 : index
    %get3A_857 = arith.constant 0 : index
    %get3A_858 = vector.load %arg4[%get3A_855, %get3A_856, %get3A_857] : memref<32x64x16xf32, #tpu.memory_space<vmem>>, vector<1x64x16xf32>
    %get3A_859 = vector.shape_cast %get3A_858 : vector<1x64x16xf32> to vector<64x16xf32>
    %add3A_860 = arith.addf %add3A_830, %get3A_859 : vector<64x16xf32>
    %get3A_861 = arith.constant 29 : index
    %get3A_862 = arith.constant 0 : index
    %get3A_863 = arith.constant 0 : index
    %get3A_864 = vector.load %arg0[%get3A_861, %get3A_862, %get3A_863] : memref<32x64x128xf32, #tpu.memory_space<vmem>>, vector<1x64x128xf32>
    %get3A_865 = vector.shape_cast %get3A_864 : vector<1x64x128xf32> to vector<64x128xf32>
    %add3A_866 = arith.addf %add3A_836, %get3A_865 : vector<64x128xf32>
    %get3A_867 = arith.constant 29 : index
    %get3A_868 = arith.constant 0 : index
    %get3A_869 = arith.constant 0 : index
    %get3A_870 = vector.load %arg1[%get3A_867, %get3A_868, %get3A_869] : memref<32x64x128xf32, #tpu.memory_space<vmem>>, vector<1x64x128xf32>
    %get3A_871 = vector.shape_cast %get3A_870 : vector<1x64x128xf32> to vector<64x128xf32>
    %min3A_872 = arith.minimumf %min3A_842, %get3A_871 : vector<64x128xf32>
    %get3A_873 = arith.constant 29 : index
    %get3A_874 = arith.constant 0 : index
    %get3A_875 = arith.constant 0 : index
    %get3A_876 = vector.load %arg2[%get3A_873, %get3A_874, %get3A_875] : memref<32x64x128xf32, #tpu.memory_space<vmem>>, vector<1x64x128xf32>
    %get3A_877 = vector.shape_cast %get3A_876 : vector<1x64x128xf32> to vector<64x128xf32>
    %max3A_878 = arith.maximumf %max3A_848, %get3A_877 : vector<64x128xf32>
    %get3A_879 = arith.constant 29 : index
    %get3A_880 = arith.constant 0 : index
    %get3A_881 = arith.constant 0 : index
    %get3A_882 = vector.load %arg3[%get3A_879, %get3A_880, %get3A_881] : memref<32x64x128xf32, #tpu.memory_space<vmem>>, vector<1x64x128xf32>
    %get3A_883 = vector.shape_cast %get3A_882 : vector<1x64x128xf32> to vector<64x128xf32>
    %add3A_884 = arith.addf %add3A_854, %get3A_883 : vector<64x128xf32>
    %get3A_885 = arith.constant 29 : index
    %get3A_886 = arith.constant 0 : index
    %get3A_887 = arith.constant 0 : index
    %get3A_888 = vector.load %arg4[%get3A_885, %get3A_886, %get3A_887] : memref<32x64x16xf32, #tpu.memory_space<vmem>>, vector<1x64x16xf32>
    %get3A_889 = vector.shape_cast %get3A_888 : vector<1x64x16xf32> to vector<64x16xf32>
    %add3A_890 = arith.addf %add3A_860, %get3A_889 : vector<64x16xf32>
    %get3A_891 = arith.constant 30 : index
    %get3A_892 = arith.constant 0 : index
    %get3A_893 = arith.constant 0 : index
    %get3A_894 = vector.load %arg0[%get3A_891, %get3A_892, %get3A_893] : memref<32x64x128xf32, #tpu.memory_space<vmem>>, vector<1x64x128xf32>
    %get3A_895 = vector.shape_cast %get3A_894 : vector<1x64x128xf32> to vector<64x128xf32>
    %add3A_896 = arith.addf %add3A_866, %get3A_895 : vector<64x128xf32>
    %get3A_897 = arith.constant 30 : index
    %get3A_898 = arith.constant 0 : index
    %get3A_899 = arith.constant 0 : index
    %get3A_900 = vector.load %arg1[%get3A_897, %get3A_898, %get3A_899] : memref<32x64x128xf32, #tpu.memory_space<vmem>>, vector<1x64x128xf32>
    %get3A_901 = vector.shape_cast %get3A_900 : vector<1x64x128xf32> to vector<64x128xf32>
    %min3A_902 = arith.minimumf %min3A_872, %get3A_901 : vector<64x128xf32>
    %get3A_903 = arith.constant 30 : index
    %get3A_904 = arith.constant 0 : index
    %get3A_905 = arith.constant 0 : index
    %get3A_906 = vector.load %arg2[%get3A_903, %get3A_904, %get3A_905] : memref<32x64x128xf32, #tpu.memory_space<vmem>>, vector<1x64x128xf32>
    %get3A_907 = vector.shape_cast %get3A_906 : vector<1x64x128xf32> to vector<64x128xf32>
    %max3A_908 = arith.maximumf %max3A_878, %get3A_907 : vector<64x128xf32>
    %get3A_909 = arith.constant 30 : index
    %get3A_910 = arith.constant 0 : index
    %get3A_911 = arith.constant 0 : index
    %get3A_912 = vector.load %arg3[%get3A_909, %get3A_910, %get3A_911] : memref<32x64x128xf32, #tpu.memory_space<vmem>>, vector<1x64x128xf32>
    %get3A_913 = vector.shape_cast %get3A_912 : vector<1x64x128xf32> to vector<64x128xf32>
    %add3A_914 = arith.addf %add3A_884, %get3A_913 : vector<64x128xf32>
    %get3A_915 = arith.constant 30 : index
    %get3A_916 = arith.constant 0 : index
    %get3A_917 = arith.constant 0 : index
    %get3A_918 = vector.load %arg4[%get3A_915, %get3A_916, %get3A_917] : memref<32x64x16xf32, #tpu.memory_space<vmem>>, vector<1x64x16xf32>
    %get3A_919 = vector.shape_cast %get3A_918 : vector<1x64x16xf32> to vector<64x16xf32>
    %add3A_920 = arith.addf %add3A_890, %get3A_919 : vector<64x16xf32>
    %get3A_921 = arith.constant 31 : index
    %get3A_922 = arith.constant 0 : index
    %get3A_923 = arith.constant 0 : index
    %get3A_924 = vector.load %arg0[%get3A_921, %get3A_922, %get3A_923] : memref<32x64x128xf32, #tpu.memory_space<vmem>>, vector<1x64x128xf32>
    %get3A_925 = vector.shape_cast %get3A_924 : vector<1x64x128xf32> to vector<64x128xf32>
    %add3A_926 = arith.addf %add3A_896, %get3A_925 : vector<64x128xf32>
    %get3A_927 = arith.constant 31 : index
    %get3A_928 = arith.constant 0 : index
    %get3A_929 = arith.constant 0 : index
    %get3A_930 = vector.load %arg1[%get3A_927, %get3A_928, %get3A_929] : memref<32x64x128xf32, #tpu.memory_space<vmem>>, vector<1x64x128xf32>
    %get3A_931 = vector.shape_cast %get3A_930 : vector<1x64x128xf32> to vector<64x128xf32>
    %min3A_932 = arith.minimumf %min3A_902, %get3A_931 : vector<64x128xf32>
    %get3A_933 = arith.constant 31 : index
    %get3A_934 = arith.constant 0 : index
    %get3A_935 = arith.constant 0 : index
    %get3A_936 = vector.load %arg2[%get3A_933, %get3A_934, %get3A_935] : memref<32x64x128xf32, #tpu.memory_space<vmem>>, vector<1x64x128xf32>
    %get3A_937 = vector.shape_cast %get3A_936 : vector<1x64x128xf32> to vector<64x128xf32>
    %max3A_938 = arith.maximumf %max3A_908, %get3A_937 : vector<64x128xf32>
    %get3A_939 = arith.constant 31 : index
    %get3A_940 = arith.constant 0 : index
    %get3A_941 = arith.constant 0 : index
    %get3A_942 = vector.load %arg3[%get3A_939, %get3A_940, %get3A_941] : memref<32x64x128xf32, #tpu.memory_space<vmem>>, vector<1x64x128xf32>
    %get3A_943 = vector.shape_cast %get3A_942 : vector<1x64x128xf32> to vector<64x128xf32>
    %add3A_944 = arith.addf %add3A_914, %get3A_943 : vector<64x128xf32>
    %get3A_945 = arith.constant 31 : index
    %get3A_946 = arith.constant 0 : index
    %get3A_947 = arith.constant 0 : index
    %get3A_948 = vector.load %arg4[%get3A_945, %get3A_946, %get3A_947] : memref<32x64x16xf32, #tpu.memory_space<vmem>>, vector<1x64x16xf32>
    %get3A_949 = vector.shape_cast %get3A_948 : vector<1x64x16xf32> to vector<64x16xf32>
    %add3A_950 = arith.addf %add3A_920, %get3A_949 : vector<64x16xf32>
    %slice3A = vector.extract_strided_slice %add3A_950 {offsets = [0, 0], sizes = [64, 1], strides = [1, 1]} : vector<64x16xf32> to vector<64x1xf32>
    %max3A_951 = arith.constant 1.000000e+00 : f32
    %max3A_952 = vector.broadcast %max3A_951 : f32 to vector<64x1xf32>
    %max3A_953 = arith.maximumf %slice3A, %max3A_952 : vector<64x1xf32>
    %div3A = arith.constant 1.000000e+00 : f32
    %div3A_954 = vector.broadcast %div3A : f32 to vector<64x1xf32>
    %div3A_955 = arith.divf %div3A_954, %max3A_953 : vector<64x1xf32>
    %mul3A = vector.broadcast %div3A_955 : vector<64x1xf32> to vector<64x128xf32>
    %mul3A_956 = arith.mulf %add3A_926, %mul3A : vector<64x128xf32>
    %mul3A_957 = vector.broadcast %div3A_955 : vector<64x1xf32> to vector<64x128xf32>
    %mul3A_958 = arith.mulf %add3A_944, %mul3A_957 : vector<64x128xf32>
    %mul3A_959 = arith.mulf %mul3A_956, %mul3A_956 : vector<64x128xf32>
    %sub3A = arith.subf %mul3A_958, %mul3A_959 : vector<64x128xf32>
    %concatenate3A = tpu.concatenate %mul3A_956, %min3A_932, %max3A_938, %sub3A in 1 : vector<64x128xf32>, vector<64x128xf32>, vector<64x128xf32>, vector<64x128xf32> -> vector<64x512xf32>
    %get3A_960 = arith.constant 0 : index
    %get3A_961 = arith.constant 0 : index
    %get3A_962 = vector.load %arg5[%get3A_960, %get3A_961] : memref<512x256xf32, #tpu.memory_space<vmem>>, vector<512x256xf32>
    %dot_general3A = arith.constant dense<0.000000e+00> : vector<64x256xf32>
    %dot_general3A_963 = tpu.matmul %concatenate3A, %get3A_962, %dot_general3A {dimension_numbers = #tpu.dot_dimension_numbers<[1], [0], [0], [1], [0, 0, 1, 1], [], []>, transpose_lhs_hint = false} : vector<64x512xf32>, vector<512x256xf32>, vector<64x256xf32> -> vector<64x256xf32>
    %get3A_964 = arith.constant 0 : index
    %get3A_965 = arith.constant 0 : index
    %get3A_966 = vector.load %arg6[%get3A_964, %get3A_965] : memref<1x256xf32, #tpu.memory_space<vmem>>, vector<1x256xf32>
    %add3A_967 = vector.broadcast %get3A_966 : vector<1x256xf32> to vector<64x256xf32>
    %add3A_968 = arith.addf %dot_general3A_963, %add3A_967 : vector<64x256xf32>
    %max3A_969 = arith.constant 0.000000e+00 : f32
    %max3A_970 = vector.broadcast %max3A_969 : f32 to vector<64x256xf32>
    %max3A_971 = arith.maximumf %add3A_968, %max3A_970 : vector<64x256xf32>
    %get3A_972 = arith.constant 0 : index
    %get3A_973 = arith.constant 0 : index
    %get3A_974 = vector.load %arg7[%get3A_972, %get3A_973] : memref<256x256xf32, #tpu.memory_space<vmem>>, vector<256x256xf32>
    %dot_general3A_975 = arith.constant dense<0.000000e+00> : vector<64x256xf32>
    %dot_general3A_976 = tpu.matmul %max3A_971, %get3A_974, %dot_general3A_975 {dimension_numbers = #tpu.dot_dimension_numbers<[1], [0], [0], [1], [0, 0, 1, 1], [], []>, transpose_lhs_hint = false} : vector<64x256xf32>, vector<256x256xf32>, vector<64x256xf32> -> vector<64x256xf32>
    %get3A_977 = arith.constant 0 : index
    %get3A_978 = arith.constant 0 : index
    %get3A_979 = vector.load %arg8[%get3A_977, %get3A_978] : memref<1x256xf32, #tpu.memory_space<vmem>>, vector<1x256xf32>
    %add3A_980 = vector.broadcast %get3A_979 : vector<1x256xf32> to vector<64x256xf32>
    %add3A_981 = arith.addf %dot_general3A_976, %add3A_980 : vector<64x256xf32>
    %swap3A = arith.constant 0 : index
    %swap3A_982 = arith.constant 0 : index
    %swap3A_983 = vector.load %arg9[%swap3A, %swap3A_982] : memref<64x256xf32, #tpu.memory_space<vmem>>, vector<64x256xf32>
    tpu.vector_store %arg9[%swap3A, %swap3A_982], %add3A_981 {strides = array<i32>} : memref<64x256xf32, #tpu.memory_space<vmem>>, vector<64x256xf32>,
    return
  }
}

</mosaic_0001>

<sc_bundles>
// kernel: kernel.4.cloned.1.call-start
scs
__scs_entry_jumppad:
0x0: {  	(pc) =	sbr.rel $0x88, $3  }
0x1: {  	(tag) =	ssettag $0x0;
	lr =	simm.s32 $0x1  }
0x2: {  	[smem:$0x3F9B] =	sst lr;
	_ =	strace $0xD0000000  }
0x3: {  	_ = 	snop  }
0x4: {  	_ = 	snop  }
0x5: {  	_ = 	snop  }
0x6: {  	_ = 	snop  }
0x7: {  	_ = 	snop  }
__scs_overlays_trampoline_lowered:
0x8: {  	[smem:$0x3FAA] =	sst s0  }
0x9: {  	[smem:$0x3FAB] =	sst s1  }
0xa: {  	[smem:$0x3FAC] =	sst s2  }
0xb: {  	[smem:$0x3FAD] =	sst s3  }
0xc: {  	[smem:$0x3FAE] =	sst s4  }
0xd: {  	[smem:$0x3FAF] =	sst s5  }
0xe: {  	[smem:$0x3FB0] =	sst s6  }
0xf: {  	[smem:$0x3FB1] =	sst s7  }
0x10: {  	[smem:$0x3FB2] =	sst s8  }
0x11: {  	[smem:$0x3FB3] =	sst s9;
	s0 =	simm.s32 @!p0 $0x0  }
0x12: {  	s1 =	sld [smem:$0x3F99];
	s0 =	simm.s32 @p0 $0x1  }
0x13: {  	[smem:$0x3FB4] =	sst s0;
	s0 =	simm.s32 @!p1 $0x0  }
0x14: {  	s2 =	sld [smem:$0x3F98];
	s0 =	simm.s32 @p1 $0x1  }
0x15: {  	[smem:$0x3FB5] =	sst s0;
	s0 =	simm.s32 @!p2 $0x0  }
0x16: {  	s3 =	sld [smem:$0x3FDB];
	s0 =	simm.s32 @p2 $0x1  }
0x17: {  	s4 =	simm.s32 $0x1BF5;
	[smem:$0x3FB7] =	sst s0  }
0x18: {  	s0 =	sld [smem:$0x3F9A];
	_ =	swait.ge [sflag:s4], $0x0  }
0x19: {  	s7 =	sld [smem:$0x3F9B]  }
0x1a: {  	s8 =	sadd.s32 $0xFFFFE003, lr  }
0x1b: {  	s9 =	sadd.s32 $0xFFFFFEF7, lr;
	s5 =	simm.s32 $0xFFFFFFFF;
	p2 =	slt.u32 s8, $0xFFFFF086  }
0x1c: {  	p1 =	slt.u32 s9, $0xF7A;
	s5 =	simm.s32 @!p2 $0x0  }
0x1d: {  	s5 =	simm.s32 @p1 $0x1;
	p0 =	seq.s32 s7, s2  }
0x1e: {  	s7 =	smul.u32 @!p0 $0xF7A, s2;
	p2 =	seq.s32 @!p0 s5, $0x0  }
0x1f: {  	s9 =	smul.u32 $0xF7A, s1;
	s8 =	simm.s32 @!p0 $0x1BF5;
	p2 =	por !p2, p0  }
0x20: {  	[sflag:s8] =	ssyncset.s32 @!p0 $0xFFFFF086;
	s6 =	sadd.s32 @!p0 s3, s7;
	s7 =	simm.s32 @!p0 $0x108  }
0x21: {  	s3 =	sadd.s32 s3, s9;
	s6 =	sadd.s32 @!p0 $0x88, s6;
	s7 =	simm.s32 @p2 $0x1082  }
0x22: {  	[simem:s7], [sflag:s8] =	dma.local @!p0 [hbm:s6], $0xF7A  }
0x23: {  	s9 =	sor.u32 $0xD0000000, s2;
	s6 =	simm.s32 $0x108;
	_ =	swait.ge @!p0 [sflag:s8], $0x0  }
0x24: {  	s3 =	sadd.s32 $0x88, s3;
	s6 =	simm.s32 @!p1 $0x1082;
	[sflag:s4] =	ssyncset.s32 $0xFFFFF086  }
0x25: {  	[simem:s6], [sflag:s4] =	dma.local [hbm:s3], $0xF7A  }
0x26: {  	[smem:$0x3F9B] =	sst s1;
	(tag) =	ssettag s2;
	_ =	strace s9  }
0x27: {  	s1 =	sld [smem:$0x3FAB]  }
0x28: {  	s2 =	sld [smem:$0x3FAC]  }
0x29: {  	s4 =	sld [smem:$0x3FAE]  }
0x2a: {  	p0 =	seq.s32 s5, $0x0;
	s5 =	sld [smem:$0x3FAF]  }
0x2b: {  	s6 =	sld [smem:$0x3FB0]  }
0x2c: {  	s7 =	sld [smem:$0x3FB1]  }
0x2d: {  	s3 =	simm.s32 $0x108;
	s8 =	sld [smem:$0x3FB2]  }
0x2e: {  	s3 =	simm.s32 @!p0 $0x1082;
	s9 =	sld [smem:$0x3FB3]  }
0x2f: {  	lr =	sadd.s32 s0, s3;
	s0 =	sld [smem:$0x3FAA]  }
0x30: {  	s3 =	sld [smem:$0x3FAD]  }
0x31: {  	[smem:$0x3FB6] =	sst s10  }
0x32: {  	s10 =	sld [smem:$0x3FB4];
	_ =	sdelay $0x3  }
0x33: {  	p0 =	seq.s32 s10, $0x1;
	s10 =	sld [smem:$0x3FB6];
	_ =	sdelay $0x3  }
0x34: {  	[smem:$0x3FB6] =	sst s10  }
0x35: {  	s10 =	sld [smem:$0x3FB5];
	_ =	sdelay $0x3  }
0x36: {  	p1 =	seq.s32 s10, $0x1;
	s10 =	sld [smem:$0x3FB6];
	_ =	sdelay $0x3  }
0x37: {  	[smem:$0x3FB6] =	sst s10  }
0x38: {  	s10 =	sld [smem:$0x3FB7]  }
0x39: {  	_ = 	snop;
	(pc) =	sbr.ind lr, $3  }
0x3a: {  	_ = 	snop  }
0x3b: {  	_ = 	snop  }
0x3c: {  	p2 =	seq.s32 s10, $0x1;
	s10 =	sld [smem:$0x3FB6]  }
0x3d: {  	_ =	shalt  }
0x3e: {  	_ =	shalt  }
0x3f: {  	_ =	shalt  }
0x40: {  	_ =	shalt  }
0x41: {  	_ =	shalt  }
0x42: {  	_ =	shalt  }
0x43: {  	_ =	shalt  }
0x44: {  	_ =	shalt  }
0x45: {  	_ =	shalt  }
0x46: {  	_ =	shalt  }
0x47: {  	_ =	shalt  }
0x48: {  	_ =	shalt  }
0x49: {  	_ =	shalt  }
0x4a: {  	_ =	shalt  }
0x4b: {  	_ =	shalt  }
0x4c: {  	_ =	shalt  }
0x4d: {  	_ =	shalt  }
0x4e: {  	_ =	shalt  }
0x4f: {  	_ =	shalt  }
0x50: {  	_ =	shalt  }
0x51: {  	_ =	shalt  }
0x52: {  	_ =	shalt  }
0x53: {  	_ =	shalt  }
0x54: {  	_ =	shalt  }
0x55: {  	_ =	shalt  }
0x56: {  	_ =	shalt  }
0x57: {  	_ =	shalt  }
0x58: {  	_ =	shalt  }
0x59: {  	_ =	shalt  }
0x5a: {  	_ =	shalt  }
0x5b: {  	_ =	shalt  }
0x5c: {  	_ =	shalt  }
0x5d: {  	_ =	shalt  }
0x5e: {  	_ =	shalt  }
0x5f: {  	_ =	shalt  }
0x60: {  	_ =	shalt  }
0x61: {  	_ =	shalt  }
0x62: {  	_ =	shalt  }
0x63: {  	_ =	shalt  }
0x64: {  	_ =	shalt  }
0x65: {  	_ =	shalt  }
0x66: {  	_ =	shalt  }
0x67: {  	_ =	shalt  }
0x68: {  	_ =	shalt  }
0x69: {  	_ =	shalt  }
0x6a: {  	_ =	shalt  }
0x6b: {  	_ =	shalt  }
0x6c: {  	_ =	shalt  }
0x6d: {  	_ =	shalt  }
0x6e: {  	_ =	shalt  }
0x6f: {  	_ =	shalt  }
0x70: {  	_ =	shalt  }
0x71: {  	_ =	shalt  }
0x72: {  	_ =	shalt  }
0x73: {  	_ =	shalt  }
0x74: {  	_ =	shalt  }
0x75: {  	_ =	shalt  }
0x76: {  	_ =	shalt  }
0x77: {  	_ =	shalt  }
0x78: {  	_ =	shalt  }
0x79: {  	_ =	shalt  }
0x7a: {  	_ =	shalt  }
0x7b: {  	_ =	shalt  }
0x7c: {  	_ =	shalt  }
0x7d: {  	_ =	shalt  }
0x7e: {  	_ =	shalt  }
0x7f: {  	_ =	shalt  }
0x80: {  	_ =	shalt  }
0x81: {  	_ =	shalt  }
0x82: {  	_ =	shalt  }
0x83: {  	_ =	shalt  }
0x84: {  	_ =	shalt  }
0x85: {  	_ =	shalt  }
0x86: {  	_ =	shalt  }
0x87: {  	_ =	shalt  }
.Lfunc_end0:
.L_simem_size_0:
called_computation_lowered:
.L_overlay_start_0:
0x88: {  	s2 =	sld [smem:$0x3FD9]  }
0x89: {  	s3 =	sld [smem:$0x3FFE];
	_ =	sdelay $0x1  }
0x8a: {  	s1 =	srdreg.scid  }
0x8b: {  	s0 =	sand.u32 $0x1, s1  }
0x8c: {  	s17 =	sshll.u32 s0, $0xA;
	s2 =	sadd.s32 s3, s2  }
0x8d: {  	s2 =	sadd.s32 s2, s17  }
0x8e: {  	[smem:$0x3FC2] =	sst s2  }
0x8f: {  	_ = 	snop  }
0x90: {  	s2 =	sld [smem:$0x3FC9]  }
0x91: {  	s18 =	sld [smem:$0x3FC8];
	(tm) =	ssettm $0x1  }
0x92: {  	s4 =	sld [smem:$0x3FFB];
	_ =	sdelay $0x3  }
0x93: {  	_ =	strace s4  }
0x94: {  	s4 =	sld [smem:$0x3FFC];
	_ =	sdelay $0x3  }
0x95: {  	_ =	strace s4  }
0x96: {  	s4 =	sld [smem:$0x3FFD];
	_ =	sdelay $0x3  }
0x97: {  	_ =	strace s4  }
0x98: {  	_ =	strace $0x8FFFFFFF  }
0x99: {  	s19 =	sld [smem:$0x3FDB];
	_ =	sdelay $0x1  }
0x9a: {  	s5 =	simm.s32 $_scs_section_size  }
0x9b: {  	s6 =	simm.s32 $_size__tile_overlayer_lowered;
	s7 =	simm.s32 $_tile_overlayer_lowered  }
0x9c: {  	s22 =	simm.s32 $0x1BFF;
	s21 =	sshll.u32 s7, $0x1;
	s4 =	sadd.s32 s5, s19  }
0x9d: {  	s8 =	simm.s32 $0x0;
	s20 =	sshll.u32 s6, $0x1;
	s6 =	sadd.s32 s21, s4  }
0x9e: {  	[timem:s8], [sflag:s22] =	dma.local [hbm:s6], s20  }
0x9f: {  	_ =	swait.ge [sflag:s22], s20  }
0xa0: {  	s5 =	ssub.s32 $0x0, s20;
	[sflag:s22] =	ssyncset.done $0x0  }
0xa1: {  	[sflag:s22] =	ssyncadd.s32 s5;
	_ =	sdelay $0x1  }
0xa2: {  	s23 =	simm.s32 $0x1B8B  }
0xa3: {  	_ =	swait.ge [sflag:s23], $0x1  }
0xa4: {  	[sflag:s23] =	ssyncset.done $0x0  }
0xa5: {  	s25 =	simm.s32 $0x1B8E;
	s24 =	sld [smem:$0x3FFE];
	[sflag:s23] =	ssyncadd.s32 $0xFFFFFFFF  }
0xa6: {  	s26 =	simm.s32 $execute0_lowered;
	[smem:$0x3FD2] =	sst s25  }
0xa7: {  	s6 =	sshll.u32 s26, $0x1;
	_ =	strace $0x80000046;
	[dreg:$0x1] =	wrdreg $0xFFFFFFFF  }
0xa8: {  	s28 =	simm.s32 $_size_execute0_lowered;
	s4 =	sadd.s32 s4, s6;
	[dreg:$0x0] =	wrdreg $0x0  }
0xa9: {  	s6 =	sshll.u32 s28, $0x1;
	[dreg:$0x2] =	wrdreg s4  }
0xaa: {  	[dreg:$0x3] =	wrdreg s6  }
0xab: {  	[dreg:$0x4] =	wrdreg $0xC0  }
0xac: {  	_ =	task [dreg:s8], $0x5FFFF  }
0xad: {  	[dreg:$0x1] =	wrdreg $0xFFFFFFFF  }
0xae: {  	[dreg:$0x0] =	wrdreg $0x60  }
0xaf: {  	[dreg:$0x2] =	wrdreg s2  }
0xb0: {  	[dreg:$0x3] =	wrdreg s18  }
0xb1: {  	[dreg:$0x4] =	wrdreg s24  }
0xb2: {  	[dreg:$0x5] =	wrdreg $0x9  }
0xb3: {  	_ =	task.clear_ibuf [dreg:s8], $0x6FFFF;
	_ =	strace $0x90000046  }
0xb4: {  	s29 =	simm.s32 $0x9;
	_ =	strace $0x80000048  }
0xb5: {  	_ =	swait.ge [sflag:s29], $0x1  }
0xb6: {  	[sflag:s29] =	ssyncadd.s32 $0xFFFFFFFF  }
0xb7: {  	_ =	strace $0x90000048  }
0xb8: {  	_ =	sfence  }
0xb9: {  	s30 =	sld [smem:$0x0];
	_ =	sdelay $0x2  }
0xba: {  	s31 =	sshll.u32 s1, $0xD;
	s1 =	sshrl.u32 s1, $0x2  }
0xbb: {  	s3 =	sand.u32 $0x4000, s31;
	s1 =	sadd.s32 s1, s30  }
0xbc: {  	s0 =	sor.u32 s3, s0;
	s1 =	sshll.u32 s1, $0x11  }
0xbd: {  	s0 =	sor.u32 s1, s0  }
0xbe: {  	s0 =	sadd.s32 $0x8F2B, s0  }
0xbf: {  	[sflag:s0] =	ssyncadd.remote.s32 $0x1  }
0xc0: {  	_ =	sfence.sel $0xFFFF  }
0xc1: {  	[dreg:$0x0] =	wrdreg $0xFFFFFFFF;
	(pc) =	sbr.abs _section_cstart, $3  }
0xc2: {  	[dreg:$0x1] =	wrdreg $0xFFFFFFFF  }
0xc3: {  	_ =	task.clear_ibuf [dreg:s8], $0x2FFFF;
	_ =	strace $0x9FFFFFFF  }
0xc4: {  	(tm) =	ssettm $0x7FFFFFFF  }
0xc5: {  	_ =	shalt  }
tec
execute0_lowered:
.L_overlay_start_1:
0x0: {  	(tag) =	ssettag $0x1  }
0x1: {  	s0 =	rddreg [dreg:$0x0]  }
0x2: {  	s1 =	rddreg [dreg:$0x1]  }
0x3: {  	s2 =	srdreg.scid;
	s5 =	stileid.u32  }
0x4: {  	s3 =	rddreg [dreg:$0x2];
	s28 =	simm.s32 $0x16D80;
	s29 =	simm.s32 $0x18E00  }
0x5: {  	s30 =	simm.s32 $0x1AE80;
	s4 =	sand.u32 $0x1, s2;
	s5 =	sshll.u32 s5, $0x1  }
0x6: {  	s31 =	simm.s32 $0x1CF00;
	s2 =	simm.s32 $0x0;
	s5 =	sor.u32 s4, s5  }
0x7: {  	[smem:$0x7FF] =	sst s2;
	s4 =	ssub.s32 $0x2, s4;
	s6 =	sshll.u32 s5, $0xA  }
0x8: {  	s11 =	smul.u32 $0xC80, s5;
	_ =	strace $0x80000047;
	s12 =	sshll.u32 s5, $0x7  }
0x9: {  	s7 =	sshrl.u32 s4, $0x1;
	s14 =	smul.u32 $0xC800, s5;
	s17 =	sadd.s32 s6, s3  }
0xa: {  	s18 =	sadd.s32 s12, s3;
	s19 =	ssub.s32 s4, s7;
	s8 =	smin.u32 s11, $0x17A10  }
0xb: {  	s15 =	smin.u32 s11, $0x182E0;
	s16 =	smin.u32 s11, $0x181A0;
	s4 =	sadd.s32 s0, s14  }
0xc: {  	s23 =	smin.u32 s11, $0x18060;
	s24 =	smin.u32 s11, $0x17F20;
	s9 =	smin.u32 s11, $0x17DE0  }
0xd: {  	s25 =	smin.u32 s11, $0x17CA0;
	s26 =	smin.u32 s11, $0x17B60;
	s11 =	smin.u32 s11, $0x17A20  }
0xe: {  	s14 =	sadd.s32 $0x2800, s17;
	s18 =	sadd.s32 $0x1800, s18;
	s19 =	smax.u32 s19, $0x1  }
0xf: {  	s13 =	sshrl.u32 s8, $0x3;
	s20 =	sshll.u32 s15, $0x4;
	s21 =	sshll.u32 s16, $0x4  }
0x10: {  	s5 =	sadd.s32 $0x1400, s4;
	s8 =	sshll.u32 s24, $0x4;
	s9 =	sshll.u32 s9, $0x4  }
0x11: {  	s11 =	sshll.u32 s11, $0x4;
	s15 =	sadd.s32 $0xA800, s17;
	s16 =	sadd.s32 $0x12800, s17  }
0x12: {  	s17 =	sadd.s32 $0x1A800, s17;
	s24 =	simm.s32 $0x2;
	s3 =	sadd.s32 s1, s13  }
0x13: {  	s1 =	sadd.s32 s20, s0;
	s22 =	sadd.s32 s21, s0;
	s10 =	sadd.s32 s8, s0  }
0x14: {  	s12 =	sadd.s32 s9, s0;
	s21 =	simm.s32 $0x3;
	s6 =	sadd.s32 $0x2800, s1  }
0x15: {  	s7 =	sadd.s32 $0x3C00, s22;
	s1 =	sshll.u32 s23, $0x4;
	s9 =	sadd.s32 $0x6400, s10  }
0x16: {  	s10 =	sadd.s32 $0x7800, s12;
	s12 =	sshll.u32 s26, $0x4;
	s22 =	simm.s32 $0xA000  }
0x17: {  	s23 =	simm.s32 $0x1;
	s26 =	simm.s32 $0x4;
	s1 =	sadd.s32 s1, s0  }
0x18: {  	s12 =	sadd.s32 s12, s0;
	s8 =	sadd.s32 $0x5000, s1;
	s1 =	sshll.u32 s25, $0x4  }
0x19: {  	s12 =	sadd.s32 $0xA000, s12;
	s1 =	sadd.s32 s1, s0;
	s0 =	sadd.s32 s11, s0  }
0x1a: {  	v0 =	vimm.f32 $0.0e+00;
	v1 =	vimm.f32 $+Inf;
	v2 =	vimm.f32 $-Inf;
	s11 =	sadd.s32 $0x8C00, s1;
	s13 =	sadd.s32 $0xB400, s0;
	s1 =	simm.s32 $0x0  }
.LBB2_1:
0x1b: {  	s0 =	simm.s32 $0x14000  }
0x1c: {  	[tilespmem:s0], [sflag:$0x3] =	stream.linear.gather [hbm4b:s3+s2], $0xC90, $0x38;
	[tilespmem:$0x1D380] =	vst v63  }
0x1d: {  	s25 =	simm.s32 $0x0  }
0x1e: {  	[tilespmem:s2], [sflag:$0x1] =	stream.linear.gather [hbm4b:s4+s2], $0xA000, $0x38;
	[tilespmem:$0x1D380] =	vst v63  }
0x1f: {  	[tilespmem:s25+$0x1AE80] =	vst v0  }
0x20: {  	[tilespmem:s25+$0x16D80] =	vst v1  }
0x21: {  	[tilespmem:s25+$0x18E00] =	vst v2  }
0x22: {  	[tilespmem:s25+$0x14D10] =	vst v0  }
0x23: {  	[tilespmem:s25+$0x1AE90] =	vst v0  }
0x24: {  	[tilespmem:s25+$0x16D90] =	vst v1  }
0x25: {  	[tilespmem:s25+$0x18E10] =	vst v2  }
0x26: {  	[tilespmem:s25+$0x14D20] =	vst v0  }
0x27: {  	[tilespmem:s25+$0x1AEA0] =	vst v0  }
0x28: {  	[tilespmem:s25+$0x16DA0] =	vst v1  }
0x29: {  	[tilespmem:s25+$0x18E20] =	vst v2  }
0x2a: {  	[tilespmem:s25+$0x14D30] =	vst v0  }
0x2b: {  	[tilespmem:s25+$0x1AEB0] =	vst v0  }
0x2c: {  	[tilespmem:s25+$0x16DB0] =	vst v1  }
0x2d: {  	[tilespmem:s25+$0x18E30] =	vst v2  }
0x2e: {  	[tilespmem:s25+$0x14D40] =	vst v0  }
0x2f: {  	[tilespmem:s25+$0x1AEC0] =	vst v0  }
0x30: {  	[tilespmem:s25+$0x16DC0] =	vst v1  }
0x31: {  	[tilespmem:s25+$0x18E40] =	vst v2  }
0x32: {  	[tilespmem:s25+$0x14D50] =	vst v0  }
0x33: {  	[tilespmem:s25+$0x1AED0] =	vst v0  }
0x34: {  	[tilespmem:s25+$0x16DD0] =	vst v1  }
0x35: {  	[tilespmem:s25+$0x18E50] =	vst v2  }
0x36: {  	[tilespmem:s25+$0x14D60] =	vst v0  }
0x37: {  	[tilespmem:s25+$0x1AEE0] =	vst v0  }
0x38: {  	[tilespmem:s25+$0x16DE0] =	vst v1  }
0x39: {  	[tilespmem:s25+$0x18E60] =	vst v2  }
0x3a: {  	[tilespmem:s25+$0x14D70] =	vst v0  }
0x3b: {  	[tilespmem:s25+$0x1AEF0] =	vst v0  }
0x3c: {  	[tilespmem:s25+$0x16DF0] =	vst v1  }
0x3d: {  	[tilespmem:s25+$0x18E70] =	vst v2  }
0x3e: {  	s20 =	simm.s32 $0x200;
	s0 =	simm.s32 $0x1CF00;
	[tilespmem:s25+$0x14D00] =	vst v0  }
.LBB2_2:
0x3f: {  	s25 =	sshra.s32 s20, $0x2;
	p0 =	sne.s32 s20, $0x8000;
	[tilespmem:s0+$0x0] =	vst v0  }
0x40: {  	[tilespmem:s25+$0x1AE80] =	vst v0  }
0x41: {  	[tilespmem:s25+$0x16D80] =	vst v1  }
0x42: {  	[tilespmem:s25+$0x18E00] =	vst v2  }
0x43: {  	[tilespmem:s25+$0x14D10] =	vst v0  }
0x44: {  	[tilespmem:s25+$0x1AE90] =	vst v0  }
0x45: {  	[tilespmem:s25+$0x16D90] =	vst v1  }
0x46: {  	[tilespmem:s25+$0x18E10] =	vst v2  }
0x47: {  	[tilespmem:s25+$0x14D20] =	vst v0  }
0x48: {  	[tilespmem:s25+$0x1AEA0] =	vst v0  }
0x49: {  	[tilespmem:s25+$0x16DA0] =	vst v1  }
0x4a: {  	[tilespmem:s25+$0x18E20] =	vst v2  }
0x4b: {  	[tilespmem:s25+$0x14D30] =	vst v0  }
0x4c: {  	[tilespmem:s25+$0x1AEB0] =	vst v0  }
0x4d: {  	[tilespmem:s25+$0x16DB0] =	vst v1  }
0x4e: {  	[tilespmem:s25+$0x18E30] =	vst v2  }
0x4f: {  	[tilespmem:s25+$0x14D40] =	vst v0  }
0x50: {  	[tilespmem:s25+$0x1AEC0] =	vst v0  }
0x51: {  	[tilespmem:s25+$0x16DC0] =	vst v1  }
0x52: {  	[tilespmem:s25+$0x18E40] =	vst v2  }
0x53: {  	[tilespmem:s25+$0x14D50] =	vst v0  }
0x54: {  	[tilespmem:s25+$0x1AED0] =	vst v0  }
0x55: {  	[tilespmem:s25+$0x16DD0] =	vst v1  }
0x56: {  	[tilespmem:s25+$0x18E50] =	vst v2  }
0x57: {  	[tilespmem:s25+$0x14D60] =	vst v0  }
0x58: {  	[tilespmem:s25+$0x1AEE0] =	vst v0  }
0x59: {  	[tilespmem:s25+$0x16DE0] =	vst v1  }
0x5a: {  	[tilespmem:s25+$0x18E60] =	vst v2  }
.Ltmp0:
0x5b: {  	[tilespmem:s25+$0x14D70] =	vst v0;
	(pc) =	sbr.rel @p0 .LBB2_2-.Ltmp0, $4  }
0x5c: {  	[tilespmem:s25+$0x1AEF0] =	vst v0  }
0x5d: {  	[tilespmem:s25+$0x16DF0] =	vst v1  }
0x5e: {  	[tilespmem:s25+$0x18E70] =	vst v2  }
0x5f: {  	s20 =	sadd.s32 $0x200, s20;
	s0 =	sadd.s32 $0x10, s0;
	[tilespmem:s25+$0x14D00] =	vst v0  }
0x60: {  	[tilespmem:s0+$0x0] =	vst v0  }
0x61: {  	_ =	swait.ge [sflag:s21], $0xC90  }
0x62: {  	[sflag:s21] =	ssyncset.done $0x0  }
0x63: {  	[sflag:s21] =	ssyncadd.s32 $0xFFFFF370  }
0x64: {  	[tilespmem:s22], [sflag:$0x2] =	stream.linear.gather [hbm4b:s5+s2], $0xA000, $0x38;
	[tilespmem:$0x1D380] =	vst v63  }
0x65: {  	_ =	swait.ge [sflag:s23], $0xA000  }
0x66: {  	[sflag:s23] =	ssyncset.done $0x0  }
0x67: {  	[sflag:s23] =	ssyncadd.s32 $0xFFFF6000  }
0x68: {  	[tilespmem:s2], [sflag:$0x1] =	stream.linear.gather [hbm4b:s6+s2], $0xA000, $0x38;
	[tilespmem:$0x1D380] =	vst v63  }
0x69: {  	_ =	swait.ge [sflag:s24], $0xA000  }
0x6a: {  	[sflag:s24] =	ssyncset.done $0x0  }
0x6b: {  	[sflag:s24] =	ssyncadd.s32 $0xFFFF6000  }
0x6c: {  	[tilespmem:s22], [sflag:$0x2] =	stream.linear.gather [hbm4b:s7+s2], $0xA000, $0x38;
	[tilespmem:$0x1D380] =	vst v63  }
0x6d: {  	_ =	swait.ge [sflag:s23], $0xA000  }
0x6e: {  	[sflag:s23] =	ssyncset.done $0x0  }
0x6f: {  	[sflag:s23] =	ssyncadd.s32 $0xFFFF6000  }
0x70: {  	[tilespmem:s2], [sflag:$0x1] =	stream.linear.gather [hbm4b:s8+s2], $0xA000, $0x38;
	[tilespmem:$0x1D380] =	vst v63  }
0x71: {  	_ =	swait.ge [sflag:s24], $0xA000  }
0x72: {  	[sflag:s24] =	ssyncset.done $0x0  }
0x73: {  	[sflag:s24] =	ssyncadd.s32 $0xFFFF6000  }
0x74: {  	[tilespmem:s22], [sflag:$0x2] =	stream.linear.gather [hbm4b:s9+s2], $0xA000, $0x38;
	[tilespmem:$0x1D380] =	vst v63  }
0x75: {  	_ =	swait.ge [sflag:s23], $0xA000  }
0x76: {  	[sflag:s23] =	ssyncset.done $0x0  }
0x77: {  	[sflag:s23] =	ssyncadd.s32 $0xFFFF6000  }
0x78: {  	[tilespmem:s2], [sflag:$0x1] =	stream.linear.gather [hbm4b:s10+s2], $0xA000, $0x38;
	[tilespmem:$0x1D380] =	vst v63  }
0x79: {  	_ =	swait.ge [sflag:s24], $0xA000  }
0x7a: {  	[sflag:s24] =	ssyncset.done $0x0  }
0x7b: {  	[sflag:s24] =	ssyncadd.s32 $0xFFFF6000  }
0x7c: {  	[tilespmem:s22], [sflag:$0x2] =	stream.linear.gather [hbm4b:s11+s2], $0xA000, $0x38;
	[tilespmem:$0x1D380] =	vst v63  }
0x7d: {  	_ =	swait.ge [sflag:s23], $0xA000  }
0x7e: {  	[sflag:s23] =	ssyncset.done $0x0  }
0x7f: {  	[sflag:s23] =	ssyncadd.s32 $0xFFFF6000  }
0x80: {  	[tilespmem:s2], [sflag:$0x1] =	stream.linear.gather [hbm4b:s12+s2], $0xA000, $0x38;
	[tilespmem:$0x1D380] =	vst v63  }
0x81: {  	_ =	swait.ge [sflag:s24], $0xA000  }
0x82: {  	[sflag:s24] =	ssyncset.done $0x0  }
0x83: {  	[sflag:s24] =	ssyncadd.s32 $0xFFFF6000  }
0x84: {  	[tilespmem:s22], [sflag:$0x2] =	stream.linear.gather [hbm4b:s13+s2], $0xA000, $0x38;
	[tilespmem:$0x1D380] =	vst v63  }
0x85: {  	_ =	swait.ge [sflag:s23], $0xA000  }
0x86: {  	[sflag:s23] =	ssyncset.done $0x0  }
0x87: {  	[sflag:s23] =	ssyncadd.s32 $0xFFFF6000  }
0x88: {  	_ =	swait.ge [sflag:s24], $0xA000  }
0x89: {  	[sflag:s24] =	ssyncset.done $0x0  }
0x8a: {  	s25 =	simm.s32 $0x14D00;
	[sflag:s24] =	ssyncadd.s32 $0xFFFF6000  }
0x8b: {  	[hbm4b:s14+s2] =	stream.linear.scatter [tilespmem:s25], [sflag:$0x4], $0x2000, $0x38;
	[tilespmem:$0x1D380] =	vst v63  }
0x8c: {  	_ =	swait.ge [sflag:s26], $0x2000  }
0x8d: {  	[sflag:s26] =	ssyncset.done $0x0  }
0x8e: {  	[sflag:s26] =	ssyncadd.s32 $0xFFFFE000  }
0x8f: {  	[hbm4b:s15+s2] =	stream.linear.scatter [tilespmem:s28], [sflag:$0x4], $0x2000, $0x38;
	[tilespmem:$0x1D380] =	vst v63  }
0x90: {  	_ =	swait.ge [sflag:s26], $0x2000  }
0x91: {  	[sflag:s26] =	ssyncset.done $0x0  }
0x92: {  	[sflag:s26] =	ssyncadd.s32 $0xFFFFE000  }
0x93: {  	[hbm4b:s16+s2] =	stream.linear.scatter [tilespmem:s29], [sflag:$0x4], $0x2000, $0x38;
	[tilespmem:$0x1D380] =	vst v63  }
0x94: {  	_ =	swait.ge [sflag:s26], $0x2000  }
0x95: {  	[sflag:s26] =	ssyncset.done $0x0  }
0x96: {  	[sflag:s26] =	ssyncadd.s32 $0xFFFFE000  }
0x97: {  	[hbm4b:s17+s2] =	stream.linear.scatter [tilespmem:s30], [sflag:$0x4], $0x2000, $0x38;
	[tilespmem:$0x1D380] =	vst v63  }
0x98: {  	s1 =	sadd.s32 $0x1, s1;
	_ =	swait.ge [sflag:s26], $0x2000  }
0x99: {  	p0 =	sne.s32 s1, s19;
	[sflag:s26] =	ssyncset.done $0x0  }
.Ltmp1:
0x9a: {  	[sflag:s26] =	ssyncadd.s32 $0xFFFFE000;
	(pc) =	sbr.rel @p0 .LBB2_1-.Ltmp1, $4  }
0x9b: {  	[hbm4b:s18+s2] =	stream.linear.scatter [tilespmem:s31], [sflag:$0x4], $0x400, $0x38;
	[tilespmem:$0x1D380] =	vst v63  }
0x9c: {  	_ =	swait.ge [sflag:s26], $0x400  }
0x9d: {  	[sflag:s26] =	ssyncset.done $0x0  }
0x9e: {  	[sflag:s26] =	ssyncadd.s32 $0xFFFFFC00  }
0x9f: {  	_ =	sfence.sel $0x180000  }
0xa0: {  	[bflag:$0x0] =	sbarrier.arrive $0xFFFF  }
0xa1: {  	_ =	strace $0x90000047  }
0xa2: {  	s0 =	stileid.u32;
	[bflag:$0x2] =	sbarrier.arrive $0xFFFF  }
0xa3: {  	p0 =	sne.s32 s0, $0x0;
	s0 =	rddreg [dreg:$0x3]  }
0xa4: {  	s0 =	sadd.s32 @!p0 $0x100000, s0  }
0xa5: {  	[sflag:s0] =	ssyncadd.tile.s32 @!p0 $0x1;
	_ =	shalt  }
.Lfunc_end2:
_tile_overlayer_lowered:
.L_overlay_start_2:
0xa6: {  	(tag) =	ssettag $0x2  }
0xa7: {  	s0 =	rddreg [dreg:$0x0];
	s2 =	stileid.u32  }
0xa8: {  	s1 =	rddreg [dreg:$0x1];
	p0 =	sne.s32 s2, $0x0  }
0xa9: {  	s3 =	rddreg [dreg:$0x2];
	[bflag:$0x3] =	sbarrier.arrive $0xFFFF;
	s2 =	simm.s32 @!p0 $0x1C04  }
0xaa: {  	[timem:s3], [sflag:s2] =	dma.local @!p0 [hbm:s0], s1  }
0xab: {  	s0 =	simm.s32 @!p0 $0x4  }
0xac: {  	_ =	swait.ge @!p0 [sflag:s0], s1  }
0xad: {  	s1 =	ssub.s32 @!p0 $0x0, s1;
	[sflag:s0] =	ssyncset.done @!p0 $0x0  }
0xae: {  	[sflag:s0] =	ssyncadd.s32 @!p0 s1  }
0xaf: {  	[bflag:$0x3] =	sbarrier.arrive $0xFFFF  }
0xb0: {  	_ =	shalt  }

</sc_bundles>
